<compile_context>
chip_gen: v7x
topology: tpu7x:2x2x1
jax: 0.10.2.dev20260603
libtpu: 0.0.44.dev20260713+nightly
codegen_flags: <defaults>
</compile_context>

<pallas_src>
import functools

import jax
import jax.numpy as jnp
import numpy as np
from jax import lax
from jax.experimental import pallas as pl
from jax.experimental.pallas import tpu as pltpu
from jax.experimental.pallas import tpu_sc as plsc

NC = 2
NS = 16
NW = NC * NS
CH = 128

_F32 = jnp.float32


def _sel_matrix() -> np.ndarray:
    s = np.zeros((128, 16), dtype=np.float32)
    for l in range(128):
        s[l, 8 * (l // 64) + (l % 64) // 16] = 1.0
    return s


_SEL = _sel_matrix()




def _sc_gather2_body(nchunks, x64, src_i, trg_i, src_out, trg_out,
                     idx_s, idx_t, rows_s, rows_t, sem_s, sem_t):
    wid = lax.axis_index("s") * NC + lax.axis_index("c")
    niter = (nchunks + NW - 1) // NW

    def body(j, carry):
        cidx = wid + j * NW

        @pl.when(cidx < nchunks)
        def _():
            b = pl.multiple_of(cidx * CH, CH)
            pltpu.sync_copy(src_i.at[pl.ds(b, CH)], idx_s)
            pltpu.sync_copy(trg_i.at[pl.ds(b, CH)], idx_t)
            cs = pltpu.async_copy(x64.at[idx_s], rows_s, sem_s)
            ct = pltpu.async_copy(x64.at[idx_t], rows_t, sem_t)
            cs.wait()
            ct.wait()
            pltpu.sync_copy(rows_s, src_out.at[pl.ds(b, CH)])
            pltpu.sync_copy(rows_t, trg_out.at[pl.ds(b, CH)])

        return carry

    lax.fori_loop(0, niter, body, 0)


def _sc_scatter_body(nchunks, n_nodes, exp8, trg_i, zrows, parts,
                     idx, vals, shared):
    cid = lax.axis_index("c")
    sid = lax.axis_index("s")
    wid = sid * NC + cid
    rpt = n_nodes // NS
    niter = (nchunks + NW - 1) // NW

    pltpu.sync_copy(zrows, shared.at[pl.ds(sid * rpt, rpt)])
    plsc.subcore_barrier()

    def body(j, carry):
        cidx = wid + j * NW

        @pl.when(cidx < nchunks)
        def _():
            b = pl.multiple_of(cidx * CH, CH)
            pltpu.sync_copy(trg_i.at[pl.ds(b, CH)], idx)
            pltpu.sync_copy(exp8.at[pl.ds(b, CH)], vals)
            pltpu.sync_copy(vals, shared.at[idx], add=True)

        return carry

    lax.fori_loop(0, niter, body, 0)
    plsc.subcore_barrier()
    pltpu.sync_copy(shared.at[pl.ds(sid * rpt, rpt)],
                    parts.at[cid, pl.ds(sid * rpt, rpt)])


def _sc_gather1_body(nchunks, nbr8, trg_i, out8, idx, rows, sem):
    wid = lax.axis_index("s") * NC + lax.axis_index("c")
    niter = (nchunks + NW - 1) // NW

    def body(j, carry):
        cidx = wid + j * NW

        @pl.when(cidx < nchunks)
        def _():
            b = pl.multiple_of(cidx * CH, CH)
            pltpu.sync_copy(trg_i.at[pl.ds(b, CH)], idx)
            pltpu.async_copy(nbr8.at[idx], rows, sem).wait()
            pltpu.sync_copy(rows, out8.at[pl.ds(b, CH)])

        return carry

    lax.fori_loop(0, niter, body, 0)




def _tc_dist_body(s_ref, t_ref, c_ref, sel_ref, d_ref, sum_ref, min_ref):
    i = pl.program_id(0)
    diff = t_ref[...] - s_ref[...]
    w2 = diff * diff * c_ref[...]
    d16 = jnp.dot(w2, sel_ref[...], preferred_element_type=_F32)
    d_ref[...] = d16
    psum = jnp.sum(d16, axis=0, keepdims=True)
    pmin = jnp.min(d16, axis=0, keepdims=True)

    @pl.when(i == 0)
    def _():
        sum_ref[...] = psum
        min_ref[...] = pmin

    @pl.when(i != 0)
    def _():
        sum_ref[...] += psum
        min_ref[...] = jnp.minimum(min_ref[...], pmin)


def _tc_exp_body(d_ref, mean_ref, m_ref, e_ref):
    x = d_ref[...] + mean_ref[...]
    lk = jnp.where(x >= 0.0, x, 0.2 * x)
    e_ref[...] = jnp.exp(-lk - m_ref[...])


def _tc_add_body(a_ref, b_ref, o_ref):
    o_ref[...] = a_ref[...] + b_ref[...]


def _tc_div_body(e_ref, dn_ref, o_ref):
    o_ref[...] = e_ref[...] / (dn_ref[...] + 1e-16)




def kernel(nodes_features, edge_index, edge_dims_weights, distance_dims_weights):
    n_nodes, n_heads, n_feat = nodes_features.shape
    n_edges = edge_index.shape[1]
    hf = n_heads * n_feat
    assert hf == 64 and n_heads == 4 and n_feat == 16
    assert n_edges % (2 * CH) == 0 and n_nodes % NS == 0

    nchunks = n_edges // CH
    trg = edge_index[0]
    src = edge_index[1]
    x64 = nodes_features.reshape(n_nodes, hf)

    mesh = plsc.VectorSubcoreMesh(core_axis_name="c", subcore_axis_name="s",
                                  num_cores=NC, num_subcores=NS)
    sc_params = pltpu.CompilerParams(use_tc_tiling_on_sc=False)

    gather2 = pl.kernel(
        functools.partial(_sc_gather2_body, nchunks),
        out_type=[jax.ShapeDtypeStruct((n_edges, hf), _F32),
                  jax.ShapeDtypeStruct((n_edges, hf), _F32)],
        mesh=mesh,
        scratch_types=[pltpu.VMEM((CH,), jnp.int32),
                       pltpu.VMEM((CH,), jnp.int32),
                       pltpu.VMEM((CH, hf), _F32),
                       pltpu.VMEM((CH, hf), _F32),
                       pltpu.SemaphoreType.DMA,
                       pltpu.SemaphoreType.DMA],
        compiler_params=sc_params,
    )
    src_rows, trg_rows = gather2(x64, src, trg)

    e2 = n_edges // 2
    be2 = 4000
    assert e2 % be2 == 0
    cw = (distance_dims_weights * edge_dims_weights * edge_dims_weights)
    c128 = jnp.tile(cw.reshape(1, hf), (1, 2))
    d16, sums16, mins16 = pl.pallas_call(
        _tc_dist_body,
        grid=(e2 // be2,),
        in_specs=[pl.BlockSpec((be2, 128), lambda i: (i, 0)),
                  pl.BlockSpec((be2, 128), lambda i: (i, 0)),
                  pl.BlockSpec((1, 128), lambda i: (0, 0)),
                  pl.BlockSpec((128, 16), lambda i: (0, 0))],
        out_specs=[pl.BlockSpec((be2, 16), lambda i: (i, 0)),
                   pl.BlockSpec((1, 16), lambda i: (0, 0)),
                   pl.BlockSpec((1, 16), lambda i: (0, 0))],
        out_shape=[jax.ShapeDtypeStruct((e2, 16), _F32),
                   jax.ShapeDtypeStruct((1, 16), _F32),
                   jax.ShapeDtypeStruct((1, 16), _F32)],
    )(src_rows.reshape(e2, 128), trg_rows.reshape(e2, 128), c128,
      jnp.asarray(_SEL))

    s16 = sums16[0]
    m16 = mins16[0]
    mean8 = (s16[:8] + s16[8:]) / n_edges
    t8 = jnp.minimum(m16[:8], m16[8:]) + mean8
    lk8 = jnp.where(t8 >= 0.0, t8, 0.2 * t8)
    mshift = jnp.max(-lk8)
    mean128 = jnp.tile(mean8, 16).reshape(1, 128)
    m128 = jnp.full((1, 128), mshift, dtype=_F32)

    e16 = n_edges // 16
    be3 = 5000
    assert e16 % be3 == 0
    e128 = pl.pallas_call(
        _tc_exp_body,
        grid=(e16 // be3,),
        in_specs=[pl.BlockSpec((be3, 128), lambda i: (i, 0)),
                  pl.BlockSpec((1, 128), lambda i: (0, 0)),
                  pl.BlockSpec((1, 128), lambda i: (0, 0))],
        out_specs=pl.BlockSpec((be3, 128), lambda i: (i, 0)),
        out_shape=jax.ShapeDtypeStruct((e16, 128), _F32),
    )(d16.reshape(e16, 128), mean128, m128)
    exp8 = e128.reshape(n_edges, 8)

    rpt = n_nodes // NS
    zrows = jnp.zeros((rpt, 8), dtype=_F32)
    scatter = pl.kernel(
        functools.partial(_sc_scatter_body, nchunks, n_nodes),
        out_type=jax.ShapeDtypeStruct((NC, n_nodes, 8), _F32),
        mesh=mesh,
        scratch_types=[pltpu.VMEM((CH,), jnp.int32),
                       pltpu.VMEM((CH, 8), _F32),
                       pltpu.VMEM_SHARED((n_nodes, 8), _F32)],
        compiler_params=sc_params,
    )
    parts = scatter(exp8, trg, zrows)

    nr = n_nodes * 8 // 128
    nbr128 = pl.pallas_call(
        _tc_add_body,
        out_shape=jax.ShapeDtypeStruct((nr, 128), _F32),
    )(parts[0].reshape(nr, 128), parts[1].reshape(nr, 128))

    gatherd = pl.kernel(
        functools.partial(_sc_gather1_body, nchunks),
        out_type=jax.ShapeDtypeStruct((n_edges, 8), _F32),
        mesh=mesh,
        scratch_types=[pltpu.VMEM((CH,), jnp.int32),
                       pltpu.VMEM((CH, 8), _F32),
                       pltpu.SemaphoreType.DMA],
        compiler_params=sc_params,
    )
    denom8 = gatherd(nbr128.reshape(n_nodes, 8), trg)

    att128 = pl.pallas_call(
        _tc_div_body,
        grid=(e16 // be3,),
        in_specs=[pl.BlockSpec((be3, 128), lambda i: (i, 0)),
                  pl.BlockSpec((be3, 128), lambda i: (i, 0))],
        out_specs=pl.BlockSpec((be3, 128), lambda i: (i, 0)),
        out_shape=jax.ShapeDtypeStruct((e16, 128), _F32),
    )(e128, denom8.reshape(e16, 128))

    attentions = att128.reshape(n_edges, 8)[:, :4].reshape(n_edges, n_heads, 1)
    return attentions, src_rows.reshape(n_edges, n_heads, n_feat)

# --- scband reference (transcript-rebuilt; emitter-appended) ---
"""Pipeline reference for scband-gnd-61873298866219 (READ-ONLY COPY).

The authoritative reference and input builder live on the scoring server;
editing this copy changes nothing except your own understanding.
"""

import jax, jax.numpy as jnp
import numpy as np

N = 50000
H = 4
F = 16
E = 800000


def setup_inputs(seed: int = 0) -> dict:
    key = jax.random.key(seed)
    k1, k2, k3, k4 = jax.random.split(key, 4)
    nodes_features = jax.random.normal(k1, (N, H, F), dtype=jnp.float32)
    edge_index = jax.random.randint(k2, (2, E), 0, N, dtype=jnp.int32)
    # xavier_uniform for (1, H, F): fan_in = H*F, fan_out = F (torch convention for 3D)
    bound = float(np.sqrt(6.0 / (H * F + F)))
    edge_dims_weights = jax.random.uniform(k3, (1, H, F), dtype=jnp.float32, minval=-bound, maxval=bound)
    distance_dims_weights = jax.random.uniform(k4, (1, H, F), dtype=jnp.float32, minval=-bound, maxval=bound)
    return {
        "nodes_features": nodes_features,
        "edge_index": edge_index,
        "edge_dims_weights": edge_dims_weights,
        "distance_dims_weights": distance_dims_weights,
    }


def reference(nodes_features, edge_index, edge_dims_weights, distance_dims_weights):
    num_of_nodes = nodes_features.shape[0]
    src_index = edge_index[1]  # src_nodes_dim = 1
    trg_index = edge_index[0]  # trg_nodes_dim = 0
    # lift: N -> E (gather)
    nodes_features_source = jnp.take(nodes_features, src_index, axis=0)  # [E, H, F]
    nodes_features_target = jnp.take(nodes_features, trg_index, axis=0)  # [E, H, F]
    edge_vectors = nodes_features_target - nodes_features_source
    edge_vectors_weighted = edge_vectors * edge_dims_weights  # [E,H,F]*[1,H,F]
    edge_distance_vectors = edge_vectors_weighted * edge_vectors_weighted
    edge_distances = (edge_distance_vectors * distance_dims_weights).sum(axis=-1)  # [E, H]
    edge_distance_mean_values = edge_distances.mean(axis=0, keepdims=True)  # [1, H]
    edge_distance_scores = -1.0 * jax.nn.leaky_relu(edge_distances + edge_distance_mean_values, negative_slope=0.2)
    # neighborhood-aware softmax over target neighborhoods
    scores = edge_distance_scores - edge_distance_scores.max()
    exp_scores = jnp.exp(scores)  # [E, H]
    neighborhood_sums = jnp.zeros((num_of_nodes, exp_scores.shape[1]), dtype=exp_scores.dtype).at[trg_index].add(exp_scores)
    denom = jnp.take(neighborhood_sums, trg_index, axis=0)  # [E, H]
    attentions_per_edge = (exp_scores / (denom + 1e-16))[..., None]  # [E, H, 1]
    return (attentions_per_edge, nodes_features_source)

if __name__ == "__main__":
    import jax
    _d = setup_inputs()
    print(jax.jit(kernel)(*tuple(_d.values())))

</pallas_src>

<mosaic_0001>
#map = affine_map<(d0, d1) -> (0, 0)>
#map1 = affine_map<(d0, d1) -> (0)>
#map2 = affine_map<(d0, d1) -> (0, 0, 0)>
module attributes {stable_mosaic.version = 14 : i64} {
  func.func @_sc_scatter_body(%arg0: i32, %arg1: i32, %arg2: memref<800000x8xf32, #tpu.memory_space<hbm>>, %arg3: memref<800000xi32, #tpu.memory_space<hbm>>, %arg4: memref<3125x8xf32, #tpu.memory_space<hbm>>, %arg5: memref<2x50000x8xf32, #tpu.memory_space<hbm>>, %arg6: memref<128xi32, #tpu.memory_space<vmem>>, %arg7: memref<128x8xf32, #tpu.memory_space<vmem>>, %arg8: memref<50000x8xf32, #tpu.memory_space<vmem_shared>>) attributes {dimension_semantics = [#tpu.dimension_semantics<core_parallel>, #tpu.dimension_semantics<subcore_parallel>], iteration_bounds = array<i64: 2, 16>, scalar_prefetch = 0 : i64, scratch_operands = 3 : i64, tpu.core_type = #tpu.core_type<sc_vector_subcore>, window_params = [{transform_indices = #map}, {transform_indices = #map1}, {transform_indices = #map}, {transform_indices = #map2}]} {
    %mul3A = arith.constant 2 : i32
    %mul3A_0 = arith.muli %arg1, %mul3A : i32
    %add3A = arith.addi %mul3A_0, %arg0 : i32
    %mul3A_1 = arith.constant 3125 : i32
    %mul3A_2 = arith.muli %arg1, %mul3A_1 : i32
    "tpu.region"() ({
      %run_scoped3A = tpu.sem_alloc : memref<!tpu.dma_semaphore, #tpu.memory_space<semaphore_mem>>
      %dma_start3A = arith.constant 0 : i32
      %dma_start3A_13 = tpu.memref_slice %arg8[%mul3A_2, %dma_start3A] : memref<50000x8xf32, #tpu.memory_space<vmem_shared>> -> memref<3125x8xf32, #tpu.memory_space<vmem_shared>>
      tpu.enqueue_dma source(%arg4 : memref<3125x8xf32, #tpu.memory_space<hbm>>) target(%dma_start3A_13 : memref<3125x8xf32, #tpu.memory_space<vmem_shared>>) target_semaphore(%run_scoped3A : memref<!tpu.dma_semaphore, #tpu.memory_space<semaphore_mem>>)
      %dma_wait3A = arith.constant 0 : i32
      %dma_wait3A_14 = tpu.memref_slice %arg8[%mul3A_2, %dma_wait3A] : memref<50000x8xf32, #tpu.memory_space<vmem_shared>> -> memref<3125x8xf32, #tpu.memory_space<vmem_shared>>
      tpu.wait_dma2 semaphore(%run_scoped3A : memref<!tpu.dma_semaphore, #tpu.memory_space<semaphore_mem>>) src(%arg4 : memref<3125x8xf32, #tpu.memory_space<hbm>>) dst(%dma_wait3A_14 : memref<3125x8xf32, #tpu.memory_space<vmem_shared>>)
      tpu.yield
    }) : () -> ()
    %barrier3A = arith.constant 0 : index
    tpu.barrier barrier_id(%barrier3A)
    %scan3A = arith.constant 0 : i32
    %scan3A_3 = arith.constant 0 : i32
    %scan3A_4 = arith.constant 196 : i32
    %scan3A_5 = arith.addi %scan3A_3, %scan3A_4 : i32
    %scan3A_6 = arith.constant 1 : i32
    scf.for %scan3A_13 = %scan3A_3 to %scan3A_5 step %scan3A_6  : i32 {
      %mul3A_14 = arith.constant 32 : i32
      %mul3A_15 = arith.muli %scan3A_13, %mul3A_14 : i32
      %add3A_16 = arith.addi %add3A, %mul3A_15 : i32
      %lt3A = arith.constant 6250 : i32
      %lt3A_17 = arith.cmpi slt, %add3A_16, %lt3A : i32
      %convert_element_type3A = arith.extui %lt3A_17 : i1 to i32
      %cond3A = arith.constant 0 : i32
      %cond3A_18 = arith.cmpi ne, %convert_element_type3A, %cond3A : i32
      scf.if %cond3A_18 {
        %mul3A_19 = arith.constant 128 : i32
        %mul3A_20 = arith.muli %add3A_16, %mul3A_19 : i32
        %multiple_of3A = tpu.assume_multiple %mul3A_20, 128 : i32
        "tpu.region"() ({
          %run_scoped3A = tpu.sem_alloc : memref<!tpu.dma_semaphore, #tpu.memory_space<semaphore_mem>>
          %dma_start3A = tpu.memref_slice %arg3[%multiple_of3A] : memref<800000xi32, #tpu.memory_space<hbm>> -> memref<128xi32, #tpu.memory_space<hbm>>
          %dma_start3A_21 = tpu.memref_slice %arg3[%multiple_of3A] : memref<800000xi32, #tpu.memory_space<hbm>> -> memref<128xi32, #tpu.memory_space<hbm>>
          tpu.enqueue_dma source(%dma_start3A_21 : memref<128xi32, #tpu.memory_space<hbm>>) target(%arg6 : memref<128xi32, #tpu.memory_space<vmem>>) target_semaphore(%run_scoped3A : memref<!tpu.dma_semaphore, #tpu.memory_space<semaphore_mem>>)
          %dma_wait3A = tpu.memref_slice %arg3[%multiple_of3A] : memref<800000xi32, #tpu.memory_space<hbm>> -> memref<128xi32, #tpu.memory_space<hbm>>
          %dma_wait3A_22 = tpu.memref_slice %arg3[%multiple_of3A] : memref<800000xi32, #tpu.memory_space<hbm>> -> memref<128xi32, #tpu.memory_space<hbm>>
          tpu.wait_dma2 semaphore(%run_scoped3A : memref<!tpu.dma_semaphore, #tpu.memory_space<semaphore_mem>>) src(%dma_wait3A_22 : memref<128xi32, #tpu.memory_space<hbm>>) dst(%arg6 : memref<128xi32, #tpu.memory_space<vmem>>)
          tpu.yield
        }) : () -> ()
        "tpu.region"() ({
          %run_scoped3A = tpu.sem_alloc : memref<!tpu.dma_semaphore, #tpu.memory_space<semaphore_mem>>
          %dma_start3A = arith.constant 0 : i32
          %dma_start3A_21 = tpu.memref_slice %arg2[%multiple_of3A, %dma_start3A] : memref<800000x8xf32, #tpu.memory_space<hbm>> -> memref<128x8xf32, #tpu.memory_space<hbm>>
          %dma_start3A_22 = arith.constant 0 : i32
          %dma_start3A_23 = tpu.memref_slice %arg2[%multiple_of3A, %dma_start3A_22] : memref<800000x8xf32, #tpu.memory_space<hbm>> -> memref<128x8xf32, #tpu.memory_space<hbm>>
          tpu.enqueue_dma source(%dma_start3A_23 : memref<128x8xf32, #tpu.memory_space<hbm>>) target(%arg7 : memref<128x8xf32, #tpu.memory_space<vmem>>) target_semaphore(%run_scoped3A : memref<!tpu.dma_semaphore, #tpu.memory_space<semaphore_mem>>)
          %dma_wait3A = arith.constant 0 : i32
          %dma_wait3A_24 = tpu.memref_slice %arg2[%multiple_of3A, %dma_wait3A] : memref<800000x8xf32, #tpu.memory_space<hbm>> -> memref<128x8xf32, #tpu.memory_space<hbm>>
          %dma_wait3A_25 = arith.constant 0 : i32
          %dma_wait3A_26 = tpu.memref_slice %arg2[%multiple_of3A, %dma_wait3A_25] : memref<800000x8xf32, #tpu.memory_space<hbm>> -> memref<128x8xf32, #tpu.memory_space<hbm>>
          tpu.wait_dma2 semaphore(%run_scoped3A : memref<!tpu.dma_semaphore, #tpu.memory_space<semaphore_mem>>) src(%dma_wait3A_26 : memref<128x8xf32, #tpu.memory_space<hbm>>) dst(%arg7 : memref<128x8xf32, #tpu.memory_space<vmem>>)
          tpu.yield
        }) : () -> ()
        "tpu.region"() ({
          %run_scoped3A = tpu.sem_alloc : memref<!tpu.dma_semaphore, #tpu.memory_space<semaphore_mem>>
          %dma_start3A = arith.constant 0 : i32
          %dma_start3A_21 = arith.constant 0 : i32
          %dma_start3A_22 = tpu.memref_slice %arg8[%dma_start3A, %dma_start3A_21] : memref<50000x8xf32, #tpu.memory_space<vmem_shared>> -> memref<50000x8xf32, #tpu.memory_space<vmem_shared>>
          tpu.enqueue_indirect_dma source(%arg7 : memref<128x8xf32, #tpu.memory_space<vmem>>) target(%dma_start3A_22 : memref<50000x8xf32, #tpu.memory_space<vmem_shared>>) offsets(%arg6 : memref<128xi32, #tpu.memory_space<vmem>>) semaphore(%run_scoped3A : memref<!tpu.dma_semaphore, #tpu.memory_space<semaphore_mem>>) {add = true}
          %dma_wait3A = arith.constant 0 : i32
          %dma_wait3A_23 = arith.constant 0 : i32
          %dma_wait3A_24 = tpu.memref_slice %arg8[%dma_wait3A, %dma_wait3A_23] : memref<50000x8xf32, #tpu.memory_space<vmem_shared>> -> memref<50000x8xf32, #tpu.memory_space<vmem_shared>>
          tpu.wait_indirect_dma semaphore(%run_scoped3A : memref<!tpu.dma_semaphore, #tpu.memory_space<semaphore_mem>>) src(%arg7 : memref<128x8xf32, #tpu.memory_space<vmem>>) dst(%dma_wait3A_24 : memref<50000x8xf32, #tpu.memory_space<vmem_shared>>)
          tpu.yield
        }) : () -> ()
      } else {
      }
    }
    %scan3A_7 = arith.constant 196 : i32
    %barrier3A_8 = arith.constant 0 : index
    tpu.barrier barrier_id(%barrier3A_8)
    %mul3A_9 = arith.constant 3125 : i32
    %mul3A_10 = arith.muli %arg1, %mul3A_9 : i32
    %mul3A_11 = arith.constant 3125 : i32
    %mul3A_12 = arith.muli %arg1, %mul3A_11 : i32
    "tpu.region"() ({
      %run_scoped3A = tpu.sem_alloc : memref<!tpu.dma_semaphore, #tpu.memory_space<semaphore_mem>>
      %dma_start3A = arith.constant 0 : i32
      %dma_start3A_13 = tpu.memref_slice %arg5[%arg0, %mul3A_12, %dma_start3A] : memref<2x50000x8xf32, #tpu.memory_space<hbm>> -> memref<1x3125x8xf32, #tpu.memory_space<hbm>>
      %dma_start3A_14 = tpu.memref_squeeze %dma_start3A_13 : memref<1x3125x8xf32, #tpu.memory_space<hbm>> -> memref<3125x8xf32, #tpu.memory_space<hbm>>
      %dma_start3A_15 = arith.constant 0 : i32
      %dma_start3A_16 = tpu.memref_slice %arg8[%mul3A_10, %dma_start3A_15] : memref<50000x8xf32, #tpu.memory_space<vmem_shared>> -> memref<3125x8xf32, #tpu.memory_space<vmem_shared>>
      tpu.enqueue_dma source(%dma_start3A_16 : memref<3125x8xf32, #tpu.memory_space<vmem_shared>>) target(%dma_start3A_14 : memref<3125x8xf32, #tpu.memory_space<hbm>>) target_semaphore(%run_scoped3A : memref<!tpu.dma_semaphore, #tpu.memory_space<semaphore_mem>>)
      %dma_wait3A = arith.constant 0 : i32
      %dma_wait3A_17 = tpu.memref_slice %arg5[%arg0, %mul3A_12, %dma_wait3A] : memref<2x50000x8xf32, #tpu.memory_space<hbm>> -> memref<1x3125x8xf32, #tpu.memory_space<hbm>>
      %dma_wait3A_18 = tpu.memref_squeeze %dma_wait3A_17 : memref<1x3125x8xf32, #tpu.memory_space<hbm>> -> memref<3125x8xf32, #tpu.memory_space<hbm>>
      %dma_wait3A_19 = arith.constant 0 : i32
      %dma_wait3A_20 = tpu.memref_slice %arg8[%mul3A_10, %dma_wait3A_19] : memref<50000x8xf32, #tpu.memory_space<vmem_shared>> -> memref<3125x8xf32, #tpu.memory_space<vmem_shared>>
      tpu.wait_dma2 semaphore(%run_scoped3A : memref<!tpu.dma_semaphore, #tpu.memory_space<semaphore_mem>>) src(%dma_wait3A_20 : memref<3125x8xf32, #tpu.memory_space<vmem_shared>>) dst(%dma_wait3A_18 : memref<3125x8xf32, #tpu.memory_space<hbm>>)
      tpu.yield
    }) : () -> ()
    return
  }
}

#map = affine_map<(d0, d1) -> (0, 0)>
#map1 = affine_map<(d0, d1) -> (0)>
module attributes {stable_mosaic.version = 14 : i64} {
  func.func @_sc_gather1_body(%arg0: i32, %arg1: i32, %arg2: memref<50000x8xf32, #tpu.memory_space<hbm>>, %arg3: memref<800000xi32, #tpu.memory_space<hbm>>, %arg4: memref<800000x8xf32, #tpu.memory_space<hbm>>, %arg5: memref<128xi32, #tpu.memory_space<vmem>>, %arg6: memref<128x8xf32, #tpu.memory_space<vmem>>, %arg7: memref<!tpu.dma_semaphore, #tpu.memory_space<semaphore_mem>>) attributes {dimension_semantics = [#tpu.dimension_semantics<core_parallel>, #tpu.dimension_semantics<subcore_parallel>], iteration_bounds = array<i64: 2, 16>, scalar_prefetch = 0 : i64, scratch_operands = 3 : i64, tpu.core_type = #tpu.core_type<sc_vector_subcore>, window_params = [{transform_indices = #map}, {transform_indices = #map1}, {transform_indices = #map}]} {
    %mul3A = arith.constant 2 : i32
    %mul3A_0 = arith.muli %arg1, %mul3A : i32
    %add3A = arith.addi %mul3A_0, %arg0 : i32
    %scan3A = arith.constant 0 : i32
    %scan3A_1 = arith.constant 0 : i32
    %scan3A_2 = arith.constant 196 : i32
    %scan3A_3 = arith.addi %scan3A_1, %scan3A_2 : i32
    %scan3A_4 = arith.constant 1 : i32
    scf.for %scan3A_6 = %scan3A_1 to %scan3A_3 step %scan3A_4  : i32 {
      %mul3A_7 = arith.constant 32 : i32
      %mul3A_8 = arith.muli %scan3A_6, %mul3A_7 : i32
      %add3A_9 = arith.addi %add3A, %mul3A_8 : i32
      %lt3A = arith.constant 6250 : i32
      %lt3A_10 = arith.cmpi slt, %add3A_9, %lt3A : i32
      %convert_element_type3A = arith.extui %lt3A_10 : i1 to i32
      %cond3A = arith.constant 0 : i32
      %cond3A_11 = arith.cmpi ne, %convert_element_type3A, %cond3A : i32
      scf.if %cond3A_11 {
        %mul3A_12 = arith.constant 128 : i32
        %mul3A_13 = arith.muli %add3A_9, %mul3A_12 : i32
        %multiple_of3A = tpu.assume_multiple %mul3A_13, 128 : i32
        "tpu.region"() ({
          %run_scoped3A = tpu.sem_alloc : memref<!tpu.dma_semaphore, #tpu.memory_space<semaphore_mem>>
          %dma_start3A_18 = tpu.memref_slice %arg3[%multiple_of3A] : memref<800000xi32, #tpu.memory_space<hbm>> -> memref<128xi32, #tpu.memory_space<hbm>>
          %dma_start3A_19 = tpu.memref_slice %arg3[%multiple_of3A] : memref<800000xi32, #tpu.memory_space<hbm>> -> memref<128xi32, #tpu.memory_space<hbm>>
          tpu.enqueue_dma source(%dma_start3A_19 : memref<128xi32, #tpu.memory_space<hbm>>) target(%arg5 : memref<128xi32, #tpu.memory_space<vmem>>) target_semaphore(%run_scoped3A : memref<!tpu.dma_semaphore, #tpu.memory_space<semaphore_mem>>)
          %dma_wait3A_20 = tpu.memref_slice %arg3[%multiple_of3A] : memref<800000xi32, #tpu.memory_space<hbm>> -> memref<128xi32, #tpu.memory_space<hbm>>
          %dma_wait3A_21 = tpu.memref_slice %arg3[%multiple_of3A] : memref<800000xi32, #tpu.memory_space<hbm>> -> memref<128xi32, #tpu.memory_space<hbm>>
          tpu.wait_dma2 semaphore(%run_scoped3A : memref<!tpu.dma_semaphore, #tpu.memory_space<semaphore_mem>>) src(%dma_wait3A_21 : memref<128xi32, #tpu.memory_space<hbm>>) dst(%arg5 : memref<128xi32, #tpu.memory_space<vmem>>)
          tpu.yield
        }) : () -> ()
        %dma_start3A = arith.constant 0 : i32
        %dma_start3A_14 = arith.constant 0 : i32
        %dma_start3A_15 = tpu.memref_slice %arg2[%dma_start3A, %dma_start3A_14] : memref<50000x8xf32, #tpu.memory_space<hbm>> -> memref<50000x8xf32, #tpu.memory_space<hbm>>
        tpu.enqueue_indirect_dma source(%dma_start3A_15 : memref<50000x8xf32, #tpu.memory_space<hbm>>) target(%arg6 : memref<128x8xf32, #tpu.memory_space<vmem>>) offsets(%arg5 : memref<128xi32, #tpu.memory_space<vmem>>) semaphore(%arg7 : memref<!tpu.dma_semaphore, #tpu.memory_space<semaphore_mem>>)
        %dma_wait3A = arith.constant 0 : i32
        %dma_wait3A_16 = arith.constant 0 : i32
        %dma_wait3A_17 = tpu.memref_slice %arg2[%dma_wait3A, %dma_wait3A_16] : memref<50000x8xf32, #tpu.memory_space<hbm>> -> memref<50000x8xf32, #tpu.memory_space<hbm>>
        tpu.wait_indirect_dma semaphore(%arg7 : memref<!tpu.dma_semaphore, #tpu.memory_space<semaphore_mem>>) src(%dma_wait3A_17 : memref<50000x8xf32, #tpu.memory_space<hbm>>) dst(%arg6 : memref<128x8xf32, #tpu.memory_space<vmem>>)
        "tpu.region"() ({
          %run_scoped3A = tpu.sem_alloc : memref<!tpu.dma_semaphore, #tpu.memory_space<semaphore_mem>>
          %dma_start3A_18 = arith.constant 0 : i32
          %dma_start3A_19 = tpu.memref_slice %arg4[%multiple_of3A, %dma_start3A_18] : memref<800000x8xf32, #tpu.memory_space<hbm>> -> memref<128x8xf32, #tpu.memory_space<hbm>>
          %dma_start3A_20 = arith.constant 0 : i32
          %dma_start3A_21 = tpu.memref_slice %arg4[%multiple_of3A, %dma_start3A_20] : memref<800000x8xf32, #tpu.memory_space<hbm>> -> memref<128x8xf32, #tpu.memory_space<hbm>>
          tpu.enqueue_dma source(%arg6 : memref<128x8xf32, #tpu.memory_space<vmem>>) target(%dma_start3A_21 : memref<128x8xf32, #tpu.memory_space<hbm>>) target_semaphore(%run_scoped3A : memref<!tpu.dma_semaphore, #tpu.memory_space<semaphore_mem>>)
          %dma_wait3A_22 = arith.constant 0 : i32
          %dma_wait3A_23 = tpu.memref_slice %arg4[%multiple_of3A, %dma_wait3A_22] : memref<800000x8xf32, #tpu.memory_space<hbm>> -> memref<128x8xf32, #tpu.memory_space<hbm>>
          %dma_wait3A_24 = arith.constant 0 : i32
          %dma_wait3A_25 = tpu.memref_slice %arg4[%multiple_of3A, %dma_wait3A_24] : memref<800000x8xf32, #tpu.memory_space<hbm>> -> memref<128x8xf32, #tpu.memory_space<hbm>>
          tpu.wait_dma2 semaphore(%run_scoped3A : memref<!tpu.dma_semaphore, #tpu.memory_space<semaphore_mem>>) src(%arg6 : memref<128x8xf32, #tpu.memory_space<vmem>>) dst(%dma_wait3A_25 : memref<128x8xf32, #tpu.memory_space<hbm>>)
          tpu.yield
        }) : () -> ()
      } else {
      }
    }
    %scan3A_5 = arith.constant 196 : i32
    return
  }
}

#map = affine_map<(d0, d1) -> (0, 0)>
#map1 = affine_map<(d0, d1) -> (0)>
module attributes {stable_mosaic.version = 14 : i64} {
  func.func @_sc_gather2_body(%arg0: i32, %arg1: i32, %arg2: memref<50000x64xf32, #tpu.memory_space<hbm>>, %arg3: memref<800000xi32, #tpu.memory_space<hbm>>, %arg4: memref<800000xi32, #tpu.memory_space<hbm>>, %arg5: memref<800000x64xf32, #tpu.memory_space<hbm>>, %arg6: memref<800000x64xf32, #tpu.memory_space<hbm>>, %arg7: memref<128xi32, #tpu.memory_space<vmem>>, %arg8: memref<128xi32, #tpu.memory_space<vmem>>, %arg9: memref<128x64xf32, #tpu.memory_space<vmem>>, %arg10: memref<128x64xf32, #tpu.memory_space<vmem>>, %arg11: memref<!tpu.dma_semaphore, #tpu.memory_space<semaphore_mem>>, %arg12: memref<!tpu.dma_semaphore, #tpu.memory_space<semaphore_mem>>) attributes {dimension_semantics = [#tpu.dimension_semantics<core_parallel>, #tpu.dimension_semantics<subcore_parallel>], iteration_bounds = array<i64: 2, 16>, scalar_prefetch = 0 : i64, scratch_operands = 6 : i64, tpu.core_type = #tpu.core_type<sc_vector_subcore>, window_params = [{transform_indices = #map}, {transform_indices = #map1}, {transform_indices = #map1}, {transform_indices = #map}, {transform_indices = #map}]} {
    %mul3A = arith.constant 2 : i32
    %mul3A_0 = arith.muli %arg1, %mul3A : i32
    %add3A = arith.addi %mul3A_0, %arg0 : i32
    %scan3A = arith.constant 0 : i32
    %scan3A_1 = arith.constant 0 : i32
    %scan3A_2 = arith.constant 196 : i32
    %scan3A_3 = arith.addi %scan3A_1, %scan3A_2 : i32
    %scan3A_4 = arith.constant 1 : i32
    scf.for %scan3A_6 = %scan3A_1 to %scan3A_3 step %scan3A_4  : i32 {
      %mul3A_7 = arith.constant 32 : i32
      %mul3A_8 = arith.muli %scan3A_6, %mul3A_7 : i32
      %add3A_9 = arith.addi %add3A, %mul3A_8 : i32
      %lt3A = arith.constant 6250 : i32
      %lt3A_10 = arith.cmpi slt, %add3A_9, %lt3A : i32
      %convert_element_type3A = arith.extui %lt3A_10 : i1 to i32
      %cond3A = arith.constant 0 : i32
      %cond3A_11 = arith.cmpi ne, %convert_element_type3A, %cond3A : i32
      scf.if %cond3A_11 {
        %mul3A_12 = arith.constant 128 : i32
        %mul3A_13 = arith.muli %add3A_9, %mul3A_12 : i32
        %multiple_of3A = tpu.assume_multiple %mul3A_13, 128 : i32
        "tpu.region"() ({
          %run_scoped3A = tpu.sem_alloc : memref<!tpu.dma_semaphore, #tpu.memory_space<semaphore_mem>>
          %dma_start3A_24 = tpu.memref_slice %arg3[%multiple_of3A] : memref<800000xi32, #tpu.memory_space<hbm>> -> memref<128xi32, #tpu.memory_space<hbm>>
          %dma_start3A_25 = tpu.memref_slice %arg3[%multiple_of3A] : memref<800000xi32, #tpu.memory_space<hbm>> -> memref<128xi32, #tpu.memory_space<hbm>>
          tpu.enqueue_dma source(%dma_start3A_25 : memref<128xi32, #tpu.memory_space<hbm>>) target(%arg7 : memref<128xi32, #tpu.memory_space<vmem>>) target_semaphore(%run_scoped3A : memref<!tpu.dma_semaphore, #tpu.memory_space<semaphore_mem>>)
          %dma_wait3A_26 = tpu.memref_slice %arg3[%multiple_of3A] : memref<800000xi32, #tpu.memory_space<hbm>> -> memref<128xi32, #tpu.memory_space<hbm>>
          %dma_wait3A_27 = tpu.memref_slice %arg3[%multiple_of3A] : memref<800000xi32, #tpu.memory_space<hbm>> -> memref<128xi32, #tpu.memory_space<hbm>>
          tpu.wait_dma2 semaphore(%run_scoped3A : memref<!tpu.dma_semaphore, #tpu.memory_space<semaphore_mem>>) src(%dma_wait3A_27 : memref<128xi32, #tpu.memory_space<hbm>>) dst(%arg7 : memref<128xi32, #tpu.memory_space<vmem>>)
          tpu.yield
        }) : () -> ()
        "tpu.region"() ({
          %run_scoped3A = tpu.sem_alloc : memref<!tpu.dma_semaphore, #tpu.memory_space<semaphore_mem>>
          %dma_start3A_24 = tpu.memref_slice %arg4[%multiple_of3A] : memref<800000xi32, #tpu.memory_space<hbm>> -> memref<128xi32, #tpu.memory_space<hbm>>
          %dma_start3A_25 = tpu.memref_slice %arg4[%multiple_of3A] : memref<800000xi32, #tpu.memory_space<hbm>> -> memref<128xi32, #tpu.memory_space<hbm>>
          tpu.enqueue_dma source(%dma_start3A_25 : memref<128xi32, #tpu.memory_space<hbm>>) target(%arg8 : memref<128xi32, #tpu.memory_space<vmem>>) target_semaphore(%run_scoped3A : memref<!tpu.dma_semaphore, #tpu.memory_space<semaphore_mem>>)
          %dma_wait3A_26 = tpu.memref_slice %arg4[%multiple_of3A] : memref<800000xi32, #tpu.memory_space<hbm>> -> memref<128xi32, #tpu.memory_space<hbm>>
          %dma_wait3A_27 = tpu.memref_slice %arg4[%multiple_of3A] : memref<800000xi32, #tpu.memory_space<hbm>> -> memref<128xi32, #tpu.memory_space<hbm>>
          tpu.wait_dma2 semaphore(%run_scoped3A : memref<!tpu.dma_semaphore, #tpu.memory_space<semaphore_mem>>) src(%dma_wait3A_27 : memref<128xi32, #tpu.memory_space<hbm>>) dst(%arg8 : memref<128xi32, #tpu.memory_space<vmem>>)
          tpu.yield
        }) : () -> ()
        %dma_start3A = arith.constant 0 : i32
        %dma_start3A_14 = arith.constant 0 : i32
        %dma_start3A_15 = tpu.memref_slice %arg2[%dma_start3A, %dma_start3A_14] : memref<50000x64xf32, #tpu.memory_space<hbm>> -> memref<50000x64xf32, #tpu.memory_space<hbm>>
        tpu.enqueue_indirect_dma source(%dma_start3A_15 : memref<50000x64xf32, #tpu.memory_space<hbm>>) target(%arg9 : memref<128x64xf32, #tpu.memory_space<vmem>>) offsets(%arg7 : memref<128xi32, #tpu.memory_space<vmem>>) semaphore(%arg11 : memref<!tpu.dma_semaphore, #tpu.memory_space<semaphore_mem>>)
        %dma_start3A_16 = arith.constant 0 : i32
        %dma_start3A_17 = arith.constant 0 : i32
        %dma_start3A_18 = tpu.memref_slice %arg2[%dma_start3A_16, %dma_start3A_17] : memref<50000x64xf32, #tpu.memory_space<hbm>> -> memref<50000x64xf32, #tpu.memory_space<hbm>>
        tpu.enqueue_indirect_dma source(%dma_start3A_18 : memref<50000x64xf32, #tpu.memory_space<hbm>>) target(%arg10 : memref<128x64xf32, #tpu.memory_space<vmem>>) offsets(%arg8 : memref<128xi32, #tpu.memory_space<vmem>>) semaphore(%arg12 : memref<!tpu.dma_semaphore, #tpu.memory_space<semaphore_mem>>)
        %dma_wait3A = arith.constant 0 : i32
        %dma_wait3A_19 = arith.constant 0 : i32
        %dma_wait3A_20 = tpu.memref_slice %arg2[%dma_wait3A, %dma_wait3A_19] : memref<50000x64xf32, #tpu.memory_space<hbm>> -> memref<50000x64xf32, #tpu.memory_space<hbm>>
        tpu.wait_indirect_dma semaphore(%arg11 : memref<!tpu.dma_semaphore, #tpu.memory_space<semaphore_mem>>) src(%dma_wait3A_20 : memref<50000x64xf32, #tpu.memory_space<hbm>>) dst(%arg9 : memref<128x64xf32, #tpu.memory_space<vmem>>)
        %dma_wait3A_21 = arith.constant 0 : i32
        %dma_wait3A_22 = arith.constant 0 : i32
        %dma_wait3A_23 = tpu.memref_slice %arg2[%dma_wait3A_21, %dma_wait3A_22] : memref<50000x64xf32, #tpu.memory_space<hbm>> -> memref<50000x64xf32, #tpu.memory_space<hbm>>
        tpu.wait_indirect_dma semaphore(%arg12 : memref<!tpu.dma_semaphore, #tpu.memory_space<semaphore_mem>>) src(%dma_wait3A_23 : memref<50000x64xf32, #tpu.memory_space<hbm>>) dst(%arg10 : memref<128x64xf32, #tpu.memory_space<vmem>>)
        "tpu.region"() ({
          %run_scoped3A = tpu.sem_alloc : memref<!tpu.dma_semaphore, #tpu.memory_space<semaphore_mem>>
          %dma_start3A_24 = arith.constant 0 : i32
          %dma_start3A_25 = tpu.memref_slice %arg5[%multiple_of3A, %dma_start3A_24] : memref<800000x64xf32, #tpu.memory_space<hbm>> -> memref<128x64xf32, #tpu.memory_space<hbm>>
          %dma_start3A_26 = arith.constant 0 : i32
          %dma_start3A_27 = tpu.memref_slice %arg5[%multiple_of3A, %dma_start3A_26] : memref<800000x64xf32, #tpu.memory_space<hbm>> -> memref<128x64xf32, #tpu.memory_space<hbm>>
          tpu.enqueue_dma source(%arg9 : memref<128x64xf32, #tpu.memory_space<vmem>>) target(%dma_start3A_27 : memref<128x64xf32, #tpu.memory_space<hbm>>) target_semaphore(%run_scoped3A : memref<!tpu.dma_semaphore, #tpu.memory_space<semaphore_mem>>)
          %dma_wait3A_28 = arith.constant 0 : i32
          %dma_wait3A_29 = tpu.memref_slice %arg5[%multiple_of3A, %dma_wait3A_28] : memref<800000x64xf32, #tpu.memory_space<hbm>> -> memref<128x64xf32, #tpu.memory_space<hbm>>
          %dma_wait3A_30 = arith.constant 0 : i32
          %dma_wait3A_31 = tpu.memref_slice %arg5[%multiple_of3A, %dma_wait3A_30] : memref<800000x64xf32, #tpu.memory_space<hbm>> -> memref<128x64xf32, #tpu.memory_space<hbm>>
          tpu.wait_dma2 semaphore(%run_scoped3A : memref<!tpu.dma_semaphore, #tpu.memory_space<semaphore_mem>>) src(%arg9 : memref<128x64xf32, #tpu.memory_space<vmem>>) dst(%dma_wait3A_31 : memref<128x64xf32, #tpu.memory_space<hbm>>)
          tpu.yield
        }) : () -> ()
        "tpu.region"() ({
          %run_scoped3A = tpu.sem_alloc : memref<!tpu.dma_semaphore, #tpu.memory_space<semaphore_mem>>
          %dma_start3A_24 = arith.constant 0 : i32
          %dma_start3A_25 = tpu.memref_slice %arg6[%multiple_of3A, %dma_start3A_24] : memref<800000x64xf32, #tpu.memory_space<hbm>> -> memref<128x64xf32, #tpu.memory_space<hbm>>
          %dma_start3A_26 = arith.constant 0 : i32
          %dma_start3A_27 = tpu.memref_slice %arg6[%multiple_of3A, %dma_start3A_26] : memref<800000x64xf32, #tpu.memory_space<hbm>> -> memref<128x64xf32, #tpu.memory_space<hbm>>
          tpu.enqueue_dma source(%arg10 : memref<128x64xf32, #tpu.memory_space<vmem>>) target(%dma_start3A_27 : memref<128x64xf32, #tpu.memory_space<hbm>>) target_semaphore(%run_scoped3A : memref<!tpu.dma_semaphore, #tpu.memory_space<semaphore_mem>>)
          %dma_wait3A_28 = arith.constant 0 : i32
          %dma_wait3A_29 = tpu.memref_slice %arg6[%multiple_of3A, %dma_wait3A_28] : memref<800000x64xf32, #tpu.memory_space<hbm>> -> memref<128x64xf32, #tpu.memory_space<hbm>>
          %dma_wait3A_30 = arith.constant 0 : i32
          %dma_wait3A_31 = tpu.memref_slice %arg6[%multiple_of3A, %dma_wait3A_30] : memref<800000x64xf32, #tpu.memory_space<hbm>> -> memref<128x64xf32, #tpu.memory_space<hbm>>
          tpu.wait_dma2 semaphore(%run_scoped3A : memref<!tpu.dma_semaphore, #tpu.memory_space<semaphore_mem>>) src(%arg10 : memref<128x64xf32, #tpu.memory_space<vmem>>) dst(%dma_wait3A_31 : memref<128x64xf32, #tpu.memory_space<hbm>>)
          tpu.yield
        }) : () -> ()
      } else {
      }
    }
    %scan3A_5 = arith.constant 196 : i32
    return
  }
}

module attributes {stable_mosaic.version = 14 : i64} {
  func.func @_tc_dist_body(%arg0: i32, %arg1: memref<4000x128xf32, #tpu.memory_space<vmem>>, %arg2: memref<4000x128xf32, #tpu.memory_space<vmem>>, %arg3: memref<1x128xf32, #tpu.memory_space<vmem>>, %arg4: memref<128x16xf32, #tpu.memory_space<vmem>>, %arg5: memref<4000x16xf32, #tpu.memory_space<vmem>>, %arg6: memref<1x16xf32, #tpu.memory_space<vmem>>, %arg7: memref<1x16xf32, #tpu.memory_space<vmem>>) attributes {dimension_semantics = [#tpu.dimension_semantics<arbitrary>], iteration_bounds = array<i64: 100>, scalar_prefetch = 0 : i64, scratch_operands = 0 : i64, tpu.core_type = #tpu.core_type<tc>, window_params = [{transform_indices = @transform_0, window_bounds = array<i64: 4000, 128>}, {transform_indices = @transform_1, window_bounds = array<i64: 4000, 128>}, {pipeline_mode = #tpu.pipeline_mode<synchronous>, transform_indices = @transform_2, window_bounds = array<i64: 1, 128>}, {pipeline_mode = #tpu.pipeline_mode<synchronous>, transform_indices = @transform_3, window_bounds = array<i64: 128, 16>}, {transform_indices = @transform_4, window_bounds = array<i64: 4000, 16>}, {pipeline_mode = #tpu.pipeline_mode<synchronous>, transform_indices = @transform_5, window_bounds = array<i64: 1, 16>}, {pipeline_mode = #tpu.pipeline_mode<synchronous>, transform_indices = @transform_6, window_bounds = array<i64: 1, 16>}]} {
    %get3A = arith.constant 0 : index
    %get3A_0 = arith.constant 0 : index
    %get3A_1 = vector.load %arg2[%get3A, %get3A_0] : memref<4000x128xf32, #tpu.memory_space<vmem>>, vector<4000x128xf32>
    %get3A_2 = arith.constant 0 : index
    %get3A_3 = arith.constant 0 : index
    %get3A_4 = vector.load %arg1[%get3A_2, %get3A_3] : memref<4000x128xf32, #tpu.memory_space<vmem>>, vector<4000x128xf32>
    %sub3A = arith.subf %get3A_1, %get3A_4 : vector<4000x128xf32>
    %mul3A = arith.mulf %sub3A, %sub3A : vector<4000x128xf32>
    %get3A_5 = arith.constant 0 : index
    %get3A_6 = arith.constant 0 : index
    %get3A_7 = vector.load %arg3[%get3A_5, %get3A_6] : memref<1x128xf32, #tpu.memory_space<vmem>>, vector<1x128xf32>
    %mul3A_8 = vector.broadcast %get3A_7 : vector<1x128xf32> to vector<4000x128xf32>
    %mul3A_9 = arith.mulf %mul3A, %mul3A_8 : vector<4000x128xf32>
    %get3A_10 = arith.constant 0 : index
    %get3A_11 = arith.constant 0 : index
    %get3A_12 = vector.load %arg4[%get3A_10, %get3A_11] : memref<128x16xf32, #tpu.memory_space<vmem>>, vector<128x16xf32>
    %dot_general3A = arith.constant dense<0.000000e+00> : vector<4000x16xf32>
    %dot_general3A_13 = tpu.matmul %mul3A_9, %get3A_12, %dot_general3A {dimension_numbers = #tpu.dot_dimension_numbers<[1], [0], [0], [1], [0, 0, 1, 1], [], []>, transpose_lhs_hint = false} : vector<4000x128xf32>, vector<128x16xf32>, vector<4000x16xf32> -> vector<4000x16xf32>
    %swap3A = arith.constant 0 : index
    %swap3A_14 = arith.constant 0 : index
    %swap3A_15 = vector.load %arg5[%swap3A, %swap3A_14] : memref<4000x16xf32, #tpu.memory_space<vmem>>, vector<4000x16xf32>
    tpu.vector_store %arg5[%swap3A, %swap3A_14], %dot_general3A_13 {strides = array<i32>} : memref<4000x16xf32, #tpu.memory_space<vmem>>, vector<4000x16xf32>,
    %reduce_sum3A = arith.constant dense<0.000000e+00> : vector<16xf32>
    %reduce_sum3A_16 = vector.multi_reduction <add>, %dot_general3A_13, %reduce_sum3A [0] : vector<4000x16xf32> to vector<16xf32>
    %broadcast_in_dim3A = vector.shape_cast %reduce_sum3A_16 : vector<16xf32> to vector<1x16xf32>
    %reduce_min3A = arith.constant dense<0x7F800000> : vector<16xf32>
    %reduce_min3A_17 = vector.multi_reduction <minimumf>, %dot_general3A_13, %reduce_min3A [0] : vector<4000x16xf32> to vector<16xf32>
    %broadcast_in_dim3A_18 = vector.shape_cast %reduce_min3A_17 : vector<16xf32> to vector<1x16xf32>
    %eq3A = arith.constant 0 : i32
    %eq3A_19 = arith.cmpi eq, %arg0, %eq3A : i32
    %convert_element_type3A = arith.extui %eq3A_19 : i1 to i32
    %cond3A = arith.constant 0 : i32
    %cond3A_20 = arith.cmpi ne, %convert_element_type3A, %cond3A : i32
    scf.if %cond3A_20 {
      %swap3A_25 = arith.constant 0 : index
      %swap3A_26 = arith.constant 0 : index
      %swap3A_27 = vector.load %arg6[%swap3A_25, %swap3A_26] : memref<1x16xf32, #tpu.memory_space<vmem>>, vector<1x16xf32>
      tpu.vector_store %arg6[%swap3A_25, %swap3A_26], %broadcast_in_dim3A {strides = array<i32>} : memref<1x16xf32, #tpu.memory_space<vmem>>, vector<1x16xf32>,
      %swap3A_28 = arith.constant 0 : index
      %swap3A_29 = arith.constant 0 : index
      %swap3A_30 = vector.load %arg7[%swap3A_28, %swap3A_29] : memref<1x16xf32, #tpu.memory_space<vmem>>, vector<1x16xf32>
      tpu.vector_store %arg7[%swap3A_28, %swap3A_29], %broadcast_in_dim3A_18 {strides = array<i32>} : memref<1x16xf32, #tpu.memory_space<vmem>>, vector<1x16xf32>,
    } else {
    }
    %ne3A = arith.constant 0 : i32
    %ne3A_21 = arith.cmpi ne, %arg0, %ne3A : i32
    %convert_element_type3A_22 = arith.extui %ne3A_21 : i1 to i32
    %cond3A_23 = arith.constant 0 : i32
    %cond3A_24 = arith.cmpi ne, %convert_element_type3A_22, %cond3A_23 : i32
    scf.if %cond3A_24 {
      %get3A_25 = arith.constant 0 : index
      %get3A_26 = arith.constant 0 : index
      %get3A_27 = vector.load %arg6[%get3A_25, %get3A_26] : memref<1x16xf32, #tpu.memory_space<vmem>>, vector<1x16xf32>
      %add3A = arith.addf %get3A_27, %broadcast_in_dim3A : vector<1x16xf32>
      %swap3A_28 = arith.constant 0 : index
      %swap3A_29 = arith.constant 0 : index
      %swap3A_30 = vector.load %arg6[%swap3A_28, %swap3A_29] : memref<1x16xf32, #tpu.memory_space<vmem>>, vector<1x16xf32>
      tpu.vector_store %arg6[%swap3A_28, %swap3A_29], %add3A {strides = array<i32>} : memref<1x16xf32, #tpu.memory_space<vmem>>, vector<1x16xf32>,
      %get3A_31 = arith.constant 0 : index
      %get3A_32 = arith.constant 0 : index
      %get3A_33 = vector.load %arg7[%get3A_31, %get3A_32] : memref<1x16xf32, #tpu.memory_space<vmem>>, vector<1x16xf32>
      %min3A = arith.minimumf %get3A_33, %broadcast_in_dim3A_18 : vector<1x16xf32>
      %swap3A_34 = arith.constant 0 : index
      %swap3A_35 = arith.constant 0 : index
      %swap3A_36 = vector.load %arg7[%swap3A_34, %swap3A_35] : memref<1x16xf32, #tpu.memory_space<vmem>>, vector<1x16xf32>
      tpu.vector_store %arg7[%swap3A_34, %swap3A_35], %min3A {strides = array<i32>} : memref<1x16xf32, #tpu.memory_space<vmem>>, vector<1x16xf32>,
    } else {
    }
    return
  }
  func.func @transform_0(%arg0: i32) -> (i32, i32) {
    %c0_i32 = arith.constant 0 : i32
    %c0_i32_0 = arith.constant 0 : i32
    return %arg0, %c0_i32 : i32, i32
  }
  func.func @transform_1(%arg0: i32) -> (i32, i32) {
    %c0_i32 = arith.constant 0 : i32
    %c0_i32_0 = arith.constant 0 : i32
    return %arg0, %c0_i32 : i32, i32
  }
  func.func @transform_2(%arg0: i32) -> (i32, i32) {
    %c0_i32 = arith.constant 0 : i32
    %c0_i32_0 = arith.constant 0 : i32
    %c0_i32_1 = arith.constant 0 : i32
    return %c0_i32, %c0_i32_0 : i32, i32
  }
  func.func @transform_3(%arg0: i32) -> (i32, i32) {
    %c0_i32 = arith.constant 0 : i32
    %c0_i32_0 = arith.constant 0 : i32
    %c0_i32_1 = arith.constant 0 : i32
    return %c0_i32, %c0_i32_0 : i32, i32
  }
  func.func @transform_4(%arg0: i32) -> (i32, i32) {
    %c0_i32 = arith.constant 0 : i32
    %c0_i32_0 = arith.constant 0 : i32
    return %arg0, %c0_i32 : i32, i32
  }
  func.func @transform_5(%arg0: i32) -> (i32, i32) {
    %c0_i32 = arith.constant 0 : i32
    %c0_i32_0 = arith.constant 0 : i32
    %c0_i32_1 = arith.constant 0 : i32
    return %c0_i32, %c0_i32_0 : i32, i32
  }
  func.func @transform_6(%arg0: i32) -> (i32, i32) {
    %c0_i32 = arith.constant 0 : i32
    %c0_i32_0 = arith.constant 0 : i32
    %c0_i32_1 = arith.constant 0 : i32
    return %c0_i32, %c0_i32_0 : i32, i32
  }
}

module attributes {stable_mosaic.version = 14 : i64} {
  func.func @_tc_exp_body(%arg0: i32, %arg1: memref<5000x128xf32, #tpu.memory_space<vmem>>, %arg2: memref<1x128xf32, #tpu.memory_space<vmem>>, %arg3: memref<1x128xf32, #tpu.memory_space<vmem>>, %arg4: memref<5000x128xf32, #tpu.memory_space<vmem>>) attributes {dimension_semantics = [#tpu.dimension_semantics<arbitrary>], iteration_bounds = array<i64: 10>, scalar_prefetch = 0 : i64, scratch_operands = 0 : i64, tpu.core_type = #tpu.core_type<tc>, window_params = [{transform_indices = @transform_0, window_bounds = array<i64: 5000, 128>}, {pipeline_mode = #tpu.pipeline_mode<synchronous>, transform_indices = @transform_1, window_bounds = array<i64: 1, 128>}, {pipeline_mode = #tpu.pipeline_mode<synchronous>, transform_indices = @transform_2, window_bounds = array<i64: 1, 128>}, {transform_indices = @transform_3, window_bounds = array<i64: 5000, 128>}]} {
    %get3A = arith.constant 0 : index
    %get3A_0 = arith.constant 0 : index
    %get3A_1 = vector.load %arg1[%get3A, %get3A_0] : memref<5000x128xf32, #tpu.memory_space<vmem>>, vector<5000x128xf32>
    %get3A_2 = arith.constant 0 : index
    %get3A_3 = arith.constant 0 : index
    %get3A_4 = vector.load %arg2[%get3A_2, %get3A_3] : memref<1x128xf32, #tpu.memory_space<vmem>>, vector<1x128xf32>
    %add3A = vector.broadcast %get3A_4 : vector<1x128xf32> to vector<5000x128xf32>
    %add3A_5 = arith.addf %get3A_1, %add3A : vector<5000x128xf32>
    %ge3A = arith.constant 0.000000e+00 : f32
    %ge3A_6 = vector.broadcast %ge3A : f32 to vector<5000x128xf32>
    %ge3A_7 = arith.cmpf oge, %add3A_5, %ge3A_6 : vector<5000x128xf32>
    %mul3A = arith.constant 2.000000e-01 : f32
    %mul3A_8 = vector.broadcast %mul3A : f32 to vector<5000x128xf32>
    %mul3A_9 = arith.mulf %mul3A_8, %add3A_5 : vector<5000x128xf32>
    %select_n3A = arith.select %ge3A_7, %add3A_5, %mul3A_9 : vector<5000x128xi1>, vector<5000x128xf32>
    %neg3A = arith.constant 0.000000e+00 : f32
    %neg3A_10 = vector.broadcast %neg3A : f32 to vector<5000x128xf32>
    %neg3A_11 = arith.subf %neg3A_10, %select_n3A : vector<5000x128xf32>
    %get3A_12 = arith.constant 0 : index
    %get3A_13 = arith.constant 0 : index
    %get3A_14 = vector.load %arg3[%get3A_12, %get3A_13] : memref<1x128xf32, #tpu.memory_space<vmem>>, vector<1x128xf32>
    %sub3A = vector.broadcast %get3A_14 : vector<1x128xf32> to vector<5000x128xf32>
    %sub3A_15 = arith.subf %neg3A_11, %sub3A : vector<5000x128xf32>
    %exp3A = math.exp %sub3A_15 : vector<5000x128xf32>
    %swap3A = arith.constant 0 : index
    %swap3A_16 = arith.constant 0 : index
    %swap3A_17 = vector.load %arg4[%swap3A, %swap3A_16] : memref<5000x128xf32, #tpu.memory_space<vmem>>, vector<5000x128xf32>
    tpu.vector_store %arg4[%swap3A, %swap3A_16], %exp3A {strides = array<i32>} : memref<5000x128xf32, #tpu.memory_space<vmem>>, vector<5000x128xf32>,
    return
  }
  func.func @transform_0(%arg0: i32) -> (i32, i32) {
    %c0_i32 = arith.constant 0 : i32
    %c0_i32_0 = arith.constant 0 : i32
    return %arg0, %c0_i32 : i32, i32
  }
  func.func @transform_1(%arg0: i32) -> (i32, i32) {
    %c0_i32 = arith.constant 0 : i32
    %c0_i32_0 = arith.constant 0 : i32
    %c0_i32_1 = arith.constant 0 : i32
    return %c0_i32, %c0_i32_0 : i32, i32
  }
  func.func @transform_2(%arg0: i32) -> (i32, i32) {
    %c0_i32 = arith.constant 0 : i32
    %c0_i32_0 = arith.constant 0 : i32
    %c0_i32_1 = arith.constant 0 : i32
    return %c0_i32, %c0_i32_0 : i32, i32
  }
  func.func @transform_3(%arg0: i32) -> (i32, i32) {
    %c0_i32 = arith.constant 0 : i32
    %c0_i32_0 = arith.constant 0 : i32
    return %arg0, %c0_i32 : i32, i32
  }
}

module attributes {stable_mosaic.version = 14 : i64} {
  func.func @_tc_add_body(%arg0: memref<3125x128xf32, #tpu.memory_space<vmem>>, %arg1: memref<3125x128xf32, #tpu.memory_space<vmem>>, %arg2: memref<3125x128xf32, #tpu.memory_space<vmem>>) attributes {dimension_semantics = [], scalar_prefetch = 0 : i64, scratch_operands = 0 : i64, tpu.core_type = #tpu.core_type<tc>} {
    %get3A = arith.constant 0 : index
    %get3A_0 = arith.constant 0 : index
    %get3A_1 = vector.load %arg0[%get3A, %get3A_0] : memref<3125x128xf32, #tpu.memory_space<vmem>>, vector<3125x128xf32>
    %get3A_2 = arith.constant 0 : index
    %get3A_3 = arith.constant 0 : index
    %get3A_4 = vector.load %arg1[%get3A_2, %get3A_3] : memref<3125x128xf32, #tpu.memory_space<vmem>>, vector<3125x128xf32>
    %add3A = arith.addf %get3A_1, %get3A_4 : vector<3125x128xf32>
    %swap3A = arith.constant 0 : index
    %swap3A_5 = arith.constant 0 : index
    %swap3A_6 = vector.load %arg2[%swap3A, %swap3A_5] : memref<3125x128xf32, #tpu.memory_space<vmem>>, vector<3125x128xf32>
    tpu.vector_store %arg2[%swap3A, %swap3A_5], %add3A {strides = array<i32>} : memref<3125x128xf32, #tpu.memory_space<vmem>>, vector<3125x128xf32>,
    return
  }
}

module attributes {stable_mosaic.version = 14 : i64} {
  func.func @_tc_div_body(%arg0: i32, %arg1: memref<5000x128xf32, #tpu.memory_space<vmem>>, %arg2: memref<5000x128xf32, #tpu.memory_space<vmem>>, %arg3: memref<5000x128xf32, #tpu.memory_space<vmem>>) attributes {dimension_semantics = [#tpu.dimension_semantics<arbitrary>], iteration_bounds = array<i64: 10>, scalar_prefetch = 0 : i64, scratch_operands = 0 : i64, tpu.core_type = #tpu.core_type<tc>, window_params = [{transform_indices = @transform_0, window_bounds = array<i64: 5000, 128>}, {transform_indices = @transform_1, window_bounds = array<i64: 5000, 128>}, {transform_indices = @transform_2, window_bounds = array<i64: 5000, 128>}]} {
    %get3A = arith.constant 0 : index
    %get3A_0 = arith.constant 0 : index
    %get3A_1 = vector.load %arg1[%get3A, %get3A_0] : memref<5000x128xf32, #tpu.memory_space<vmem>>, vector<5000x128xf32>
    %get3A_2 = arith.constant 0 : index
    %get3A_3 = arith.constant 0 : index
    %get3A_4 = vector.load %arg2[%get3A_2, %get3A_3] : memref<5000x128xf32, #tpu.memory_space<vmem>>, vector<5000x128xf32>
    %add3A = arith.constant 1.000000e-16 : f32
    %add3A_5 = vector.broadcast %add3A : f32 to vector<5000x128xf32>
    %add3A_6 = arith.addf %get3A_4, %add3A_5 : vector<5000x128xf32>
    %div3A = arith.divf %get3A_1, %add3A_6 : vector<5000x128xf32>
    %swap3A = arith.constant 0 : index
    %swap3A_7 = arith.constant 0 : index
    %swap3A_8 = vector.load %arg3[%swap3A, %swap3A_7] : memref<5000x128xf32, #tpu.memory_space<vmem>>, vector<5000x128xf32>
    tpu.vector_store %arg3[%swap3A, %swap3A_7], %div3A {strides = array<i32>} : memref<5000x128xf32, #tpu.memory_space<vmem>>, vector<5000x128xf32>,
    return
  }
  func.func @transform_0(%arg0: i32) -> (i32, i32) {
    %c0_i32 = arith.constant 0 : i32
    %c0_i32_0 = arith.constant 0 : i32
    return %arg0, %c0_i32 : i32, i32
  }
  func.func @transform_1(%arg0: i32) -> (i32, i32) {
    %c0_i32 = arith.constant 0 : i32
    %c0_i32_0 = arith.constant 0 : i32
    return %arg0, %c0_i32 : i32, i32
  }
  func.func @transform_2(%arg0: i32) -> (i32, i32) {
    %c0_i32 = arith.constant 0 : i32
    %c0_i32_0 = arith.constant 0 : i32
    return %arg0, %c0_i32 : i32, i32
  }
}

</mosaic_0001>

<sc_bundles>
// kernel: kernel.12.cloned.1.call-start
scs
__scs_entry_jumppad:
0x0: {  	(pc) =	sbr.rel $0x88, $3  }
0x1: {  	(tag) =	ssettag $0x0;
	lr =	simm.s32 $0x1  }
0x2: {  	[smem:$0x3F9D] =	sst lr;
	_ =	strace $0xD0000000  }
0x3: {  	_ = 	snop  }
0x4: {  	_ = 	snop  }
0x5: {  	_ = 	snop  }
0x6: {  	_ = 	snop  }
0x7: {  	_ = 	snop  }
__scs_overlays_trampoline_lowered:
0x8: {  	[smem:$0x3FAC] =	sst s0  }
0x9: {  	[smem:$0x3FAD] =	sst s1  }
0xa: {  	[smem:$0x3FAE] =	sst s2  }
0xb: {  	[smem:$0x3FAF] =	sst s3  }
0xc: {  	[smem:$0x3FB0] =	sst s4  }
0xd: {  	[smem:$0x3FB1] =	sst s5  }
0xe: {  	[smem:$0x3FB2] =	sst s6  }
0xf: {  	[smem:$0x3FB3] =	sst s7  }
0x10: {  	[smem:$0x3FB4] =	sst s8  }
0x11: {  	[smem:$0x3FB5] =	sst s9;
	s0 =	simm.s32 @!p0 $0x0  }
0x12: {  	s1 =	sld [smem:$0x3F9B];
	s0 =	simm.s32 @p0 $0x1  }
0x13: {  	[smem:$0x3FB6] =	sst s0;
	s0 =	simm.s32 @!p1 $0x0  }
0x14: {  	s2 =	sld [smem:$0x3F9A];
	s0 =	simm.s32 @p1 $0x1  }
0x15: {  	[smem:$0x3FB7] =	sst s0;
	s0 =	simm.s32 @!p2 $0x0  }
0x16: {  	s3 =	sld [smem:$0x3FDB];
	s0 =	simm.s32 @p2 $0x1  }
0x17: {  	s4 =	simm.s32 $0x1BF5;
	[smem:$0x3FB9] =	sst s0  }
0x18: {  	s0 =	sld [smem:$0x3F9C];
	_ =	swait.ge [sflag:s4], $0x0  }
0x19: {  	s7 =	sld [smem:$0x3F9D]  }
0x1a: {  	s8 =	sadd.s32 $0xFFFFE003, lr  }
0x1b: {  	s9 =	sadd.s32 $0xFFFFFEF7, lr;
	s5 =	simm.s32 $0xFFFFFFFF;
	p2 =	slt.u32 s8, $0xFFFFF086  }
0x1c: {  	p1 =	slt.u32 s9, $0xF7A;
	s5 =	simm.s32 @!p2 $0x0  }
0x1d: {  	s5 =	simm.s32 @p1 $0x1;
	p0 =	seq.s32 s7, s2  }
0x1e: {  	s7 =	smul.u32 @!p0 $0xF7A, s2;
	p2 =	seq.s32 @!p0 s5, $0x0  }
0x1f: {  	s9 =	smul.u32 $0xF7A, s1;
	s8 =	simm.s32 @!p0 $0x1BF5;
	p2 =	por !p2, p0  }
0x20: {  	[sflag:s8] =	ssyncset.s32 @!p0 $0xFFFFF086;
	s6 =	sadd.s32 @!p0 s3, s7;
	s7 =	simm.s32 @!p0 $0x108  }
0x21: {  	s3 =	sadd.s32 s3, s9;
	s6 =	sadd.s32 @!p0 $0x88, s6;
	s7 =	simm.s32 @p2 $0x1082  }
0x22: {  	[simem:s7], [sflag:s8] =	dma.local @!p0 [hbm:s6], $0xF7A  }
0x23: {  	s9 =	sor.u32 $0xD0000000, s2;
	s6 =	simm.s32 $0x108;
	_ =	swait.ge @!p0 [sflag:s8], $0x0  }
0x24: {  	s3 =	sadd.s32 $0x88, s3;
	s6 =	simm.s32 @!p1 $0x1082;
	[sflag:s4] =	ssyncset.s32 $0xFFFFF086  }
0x25: {  	[simem:s6], [sflag:s4] =	dma.local [hbm:s3], $0xF7A  }
0x26: {  	[smem:$0x3F9D] =	sst s1;
	(tag) =	ssettag s2;
	_ =	strace s9  }
0x27: {  	s1 =	sld [smem:$0x3FAD]  }
0x28: {  	s2 =	sld [smem:$0x3FAE]  }
0x29: {  	s4 =	sld [smem:$0x3FB0]  }
0x2a: {  	p0 =	seq.s32 s5, $0x0;
	s5 =	sld [smem:$0x3FB1]  }
0x2b: {  	s6 =	sld [smem:$0x3FB2]  }
0x2c: {  	s7 =	sld [smem:$0x3FB3]  }
0x2d: {  	s3 =	simm.s32 $0x108;
	s8 =	sld [smem:$0x3FB4]  }
0x2e: {  	s3 =	simm.s32 @!p0 $0x1082;
	s9 =	sld [smem:$0x3FB5]  }
0x2f: {  	lr =	sadd.s32 s0, s3;
	s0 =	sld [smem:$0x3FAC]  }
0x30: {  	s3 =	sld [smem:$0x3FAF]  }
0x31: {  	[smem:$0x3FB8] =	sst s10  }
0x32: {  	s10 =	sld [smem:$0x3FB6];
	_ =	sdelay $0x3  }
0x33: {  	p0 =	seq.s32 s10, $0x1;
	s10 =	sld [smem:$0x3FB8];
	_ =	sdelay $0x3  }
0x34: {  	[smem:$0x3FB8] =	sst s10  }
0x35: {  	s10 =	sld [smem:$0x3FB7];
	_ =	sdelay $0x3  }
0x36: {  	p1 =	seq.s32 s10, $0x1;
	s10 =	sld [smem:$0x3FB8];
	_ =	sdelay $0x3  }
0x37: {  	[smem:$0x3FB8] =	sst s10  }
0x38: {  	s10 =	sld [smem:$0x3FB9]  }
0x39: {  	_ = 	snop;
	(pc) =	sbr.ind lr, $3  }
0x3a: {  	_ = 	snop  }
0x3b: {  	_ = 	snop  }
0x3c: {  	p2 =	seq.s32 s10, $0x1;
	s10 =	sld [smem:$0x3FB8]  }
0x3d: {  	_ =	shalt  }
0x3e: {  	_ =	shalt  }
0x3f: {  	_ =	shalt  }
0x40: {  	_ =	shalt  }
0x41: {  	_ =	shalt  }
0x42: {  	_ =	shalt  }
0x43: {  	_ =	shalt  }
0x44: {  	_ =	shalt  }
0x45: {  	_ =	shalt  }
0x46: {  	_ =	shalt  }
0x47: {  	_ =	shalt  }
0x48: {  	_ =	shalt  }
0x49: {  	_ =	shalt  }
0x4a: {  	_ =	shalt  }
0x4b: {  	_ =	shalt  }
0x4c: {  	_ =	shalt  }
0x4d: {  	_ =	shalt  }
0x4e: {  	_ =	shalt  }
0x4f: {  	_ =	shalt  }
0x50: {  	_ =	shalt  }
0x51: {  	_ =	shalt  }
0x52: {  	_ =	shalt  }
0x53: {  	_ =	shalt  }
0x54: {  	_ =	shalt  }
0x55: {  	_ =	shalt  }
0x56: {  	_ =	shalt  }
0x57: {  	_ =	shalt  }
0x58: {  	_ =	shalt  }
0x59: {  	_ =	shalt  }
0x5a: {  	_ =	shalt  }
0x5b: {  	_ =	shalt  }
0x5c: {  	_ =	shalt  }
0x5d: {  	_ =	shalt  }
0x5e: {  	_ =	shalt  }
0x5f: {  	_ =	shalt  }
0x60: {  	_ =	shalt  }
0x61: {  	_ =	shalt  }
0x62: {  	_ =	shalt  }
0x63: {  	_ =	shalt  }
0x64: {  	_ =	shalt  }
0x65: {  	_ =	shalt  }
0x66: {  	_ =	shalt  }
0x67: {  	_ =	shalt  }
0x68: {  	_ =	shalt  }
0x69: {  	_ =	shalt  }
0x6a: {  	_ =	shalt  }
0x6b: {  	_ =	shalt  }
0x6c: {  	_ =	shalt  }
0x6d: {  	_ =	shalt  }
0x6e: {  	_ =	shalt  }
0x6f: {  	_ =	shalt  }
0x70: {  	_ =	shalt  }
0x71: {  	_ =	shalt  }
0x72: {  	_ =	shalt  }
0x73: {  	_ =	shalt  }
0x74: {  	_ =	shalt  }
0x75: {  	_ =	shalt  }
0x76: {  	_ =	shalt  }
0x77: {  	_ =	shalt  }
0x78: {  	_ =	shalt  }
0x79: {  	_ =	shalt  }
0x7a: {  	_ =	shalt  }
0x7b: {  	_ =	shalt  }
0x7c: {  	_ =	shalt  }
0x7d: {  	_ =	shalt  }
0x7e: {  	_ =	shalt  }
0x7f: {  	_ =	shalt  }
0x80: {  	_ =	shalt  }
0x81: {  	_ =	shalt  }
0x82: {  	_ =	shalt  }
0x83: {  	_ =	shalt  }
0x84: {  	_ =	shalt  }
0x85: {  	_ =	shalt  }
0x86: {  	_ =	shalt  }
0x87: {  	_ =	shalt  }
.Lfunc_end0:
.L_simem_size_0:
called_computation.2_lowered:
.L_overlay_start_0:
0x88: {  	s2 =	sld [smem:$0x3FD9]  }
0x89: {  	s3 =	sld [smem:$0x3FFE];
	_ =	sdelay $0x1  }
0x8a: {  	s1 =	srdreg.scid  }
0x8b: {  	s0 =	sand.u32 $0x1, s1  }
0x8c: {  	s14 =	sshll.u32 s0, $0xA;
	s2 =	sadd.s32 s3, s2  }
0x8d: {  	s2 =	sadd.s32 s2, s14  }
0x8e: {  	[smem:$0x3FC4] =	sst s2  }
0x8f: {  	_ = 	snop  }
0x90: {  	s2 =	sld [smem:$0x3FD0];
	_ =	sdelay $0x2  }
0x91: {  	s15 =	simm.s32 $0xB;
	s4 =	simm.s32 $0x10  }
0x92: {  	[smem:s4], [sflag:s15] =	dma.local [hbm:s2], $0x1  }
0x93: {  	_ =	swait.eq [sflag:s15], $0x1  }
0x94: {  	[sflag:s15] =	ssyncset.done $0x0  }
0x95: {  	s16 =	sld [smem:$0x10];
	[sflag:s15] =	ssyncadd.s32 $0xFFFFFFFF  }
0x96: {  	s17 =	sld [smem:$0x11];
	(tm) =	ssettm $0x1  }
0x97: {  	s18 =	sld [smem:$0x3FFB];
	_ =	sdelay $0x3  }
0x98: {  	_ =	strace s18  }
0x99: {  	s4 =	sld [smem:$0x3FFC];
	_ =	sdelay $0x3  }
0x9a: {  	_ =	strace s4  }
0x9b: {  	s4 =	sld [smem:$0x3FFD];
	_ =	sdelay $0x3  }
0x9c: {  	_ =	strace s4  }
0x9d: {  	_ =	strace $0x8FFFFFFF  }
0x9e: {  	s19 =	sld [smem:$0x3FDB];
	_ =	sdelay $0x1  }
0x9f: {  	s5 =	simm.s32 $_scs_section_size  }
0xa0: {  	s6 =	simm.s32 $_size__tile_overlayer_lowered;
	s7 =	simm.s32 $_tile_overlayer_lowered  }
0xa1: {  	s22 =	simm.s32 $0x1BFF;
	s21 =	sshll.u32 s7, $0x1;
	s4 =	sadd.s32 s5, s19  }
0xa2: {  	s8 =	simm.s32 $0x0;
	s20 =	sshll.u32 s6, $0x1;
	s6 =	sadd.s32 s21, s4  }
0xa3: {  	[timem:s8], [sflag:s22] =	dma.local [hbm:s6], s20  }
0xa4: {  	_ =	swait.ge [sflag:s22], s20  }
0xa5: {  	s5 =	ssub.s32 $0x0, s20;
	[sflag:s22] =	ssyncset.done $0x0  }
0xa6: {  	[sflag:s22] =	ssyncadd.s32 s5;
	_ =	sdelay $0x1  }
0xa7: {  	s23 =	simm.s32 $0x1B8B  }
0xa8: {  	_ =	swait.ge [sflag:s23], $0x1  }
0xa9: {  	[sflag:s23] =	ssyncset.done $0x0  }
0xaa: {  	s25 =	simm.s32 $0x1B8E;
	s24 =	sld [smem:$0x3FFE];
	[sflag:s23] =	ssyncadd.s32 $0xFFFFFFFF  }
0xab: {  	s26 =	simm.s32 $execute0_lowered;
	[smem:$0x3FD2] =	sst s25  }
0xac: {  	s6 =	sshll.u32 s26, $0x1;
	_ =	strace $0x80000049;
	[dreg:$0x1] =	wrdreg $0xFFFFFFFF  }
0xad: {  	s28 =	simm.s32 $_size_execute0_lowered;
	s4 =	sadd.s32 s4, s6;
	[dreg:$0x0] =	wrdreg $0x0  }
0xae: {  	s6 =	sshll.u32 s28, $0x1;
	[dreg:$0x2] =	wrdreg s4  }
0xaf: {  	[dreg:$0x3] =	wrdreg s6  }
0xb0: {  	[dreg:$0x4] =	wrdreg $0xC0  }
0xb1: {  	_ =	task [dreg:s8], $0x5FFFF  }
0xb2: {  	[dreg:$0x1] =	wrdreg $0xFFFFFFFF  }
0xb3: {  	[dreg:$0x0] =	wrdreg $0x60  }
0xb4: {  	[dreg:$0x2] =	wrdreg s24  }
0xb5: {  	[dreg:$0x3] =	wrdreg s17  }
0xb6: {  	[dreg:$0x4] =	wrdreg s16  }
0xb7: {  	[dreg:$0x5] =	wrdreg $0x4800  }
0xb8: {  	[dreg:$0x6] =	wrdreg $0x9  }
0xb9: {  	_ =	task.clear_ibuf [dreg:s8], $0x7FFFF;
	_ =	strace $0x90000049  }
0xba: {  	s29 =	simm.s32 $0x9;
	_ =	strace $0x8000004B  }
0xbb: {  	_ =	swait.ge [sflag:s29], $0x1  }
0xbc: {  	[sflag:s29] =	ssyncadd.s32 $0xFFFFFFFF  }
0xbd: {  	_ =	strace $0x9000004B  }
0xbe: {  	_ =	sfence  }
0xbf: {  	s30 =	sld [smem:$0x0];
	_ =	sdelay $0x2  }
0xc0: {  	s31 =	sshll.u32 s1, $0xD;
	s1 =	sshrl.u32 s1, $0x2  }
0xc1: {  	s3 =	sand.u32 $0x4000, s31;
	s1 =	sadd.s32 s1, s30  }
0xc2: {  	s0 =	sor.u32 s3, s0;
	s1 =	sshll.u32 s1, $0x11  }
0xc3: {  	s0 =	sor.u32 s1, s0  }
0xc4: {  	s0 =	sadd.s32 $0x8F2B, s0  }
0xc5: {  	[sflag:s0] =	ssyncadd.remote.s32 $0x1  }
0xc6: {  	_ =	sfence.sel $0xFFFF  }
0xc7: {  	[dreg:$0x0] =	wrdreg $0xFFFFFFFF;
	(pc) =	sbr.abs _section_cstart, $3  }
0xc8: {  	[dreg:$0x1] =	wrdreg $0xFFFFFFFF  }
0xc9: {  	_ =	task.clear_ibuf [dreg:s8], $0x2FFFF;
	_ =	strace $0x9FFFFFFF  }
0xca: {  	(tm) =	ssettm $0x7FFFFFFF  }
0xcb: {  	_ =	shalt  }
tec
execute0_lowered:
.L_overlay_start_1:
0x0: {  	(tag) =	ssettag $0x1  }
0x1: {  	s5 =	rddreg [dreg:$0x0]  }
0x2: {  	s1 =	rddreg [dreg:$0x1]  }
0x3: {  	s7 =	rddreg [dreg:$0x2]  }
0x4: {  	s3 =	rddreg [dreg:$0x3]  }
0x5: {  	s0 =	rddreg [dreg:$0x4];
	s4 =	simm.s32 $0x0;
	s2 =	stileid.u32  }
0x6: {  	s6 =	srdreg.scid;
	[smem:$0x7FF] =	sst s4  }
0x7: {  	s8 =	sshll.u32 s2, $0x8;
	s9 =	sand.u32 $0x1, s6;
	s10 =	smul.u32 $0x61A8, s2  }
0x8: {  	s11 =	sshll.u32 s2, $0x5;
	s26 =	sshll.u32 s2, $0x6;
	_ =	strace $0x8000004A  }
0x9: {  	s8 =	sadd.s32 s8, s5;
	s6 =	ssub.s32 $0x2, s9;
	s13 =	smul.u32 $0x61A80, s9  }
0xa: {  	s11 =	sadd.s32 s11, s5;
	s5 =	sshll.u32 s2, $0x1;
	s28 =	sshll.u32 s9, $0x7  }
0xb: {  	s30 =	sshll.u32 s9, $0x4;
	s12 =	sshrl.u32 s6, $0x1;
	s14 =	sadd.s32 s10, s3  }
0xc: {  	s29 =	sadd.s32 s28, s8;
	s31 =	sadd.s32 s30, s11;
	s12 =	ssub.s32 s6, s12  }
0xd: {  	s10 =	sadd.s32 s10, s13;
	s6 =	sor.u32 $0x1C01, s26;
	s9 =	sadd.s32 $0xDD200, s29  }
0xe: {  	s11 =	sshrl.u32 s14, $0x3;
	s10 =	sshrl.u32 s10, $0x3;
	s8 =	smax.u32 s12, $0x1  }
0xf: {  	s12 =	simm.s32 $0x1;
	s7 =	sadd.s32 s7, s10;
	s10 =	sadd.s32 $0x1400, s31  }
.LBB2_1:
0x10: {  	[spmem:s11], [sflag:s6] =	dma.local [hbm:s1], $0xC35  }
0x11: {  	_ =	swait.ge [sflag:s12], $0xC35  }
0x12: {  	s13 =	sadd.s32 $0x0, s5;
	[sflag:s12] =	ssyncset.done $0x0  }
0x13: {  	p0 =	sgt.u32 s13, $0x1869;
	[sflag:s12] =	ssyncadd.s32 $0xFFFFF3CB  }
0x14: {  	s13 =	simm.s32 @!p0 $0x0;
	s15 =	simm.s32 @!p0 $0x2;
	[bflag:$0x0] =	sbarrier.arrive $0xFFFF  }
0x15: {  	[tilespmem:s13], [sflag:$0x2] =	stream.linear.gather @!p0 [hbm4b:s10+s13], $0x80, $0x38;
	[tilespmem:$0x6628] =	vst v63  }
0x16: {  	_ =	swait.ge @!p0 [sflag:s15], $0x80  }
0x17: {  	[sflag:s15] =	ssyncset.done @!p0 $0x0;
	p0 =	por p0, p0  }
0x18: {  	[sflag:s15] =	ssyncadd.s32 @!p0 $0xFFFFFF80;
	s17 =	simm.s32 @!p0 $0x80  }
0x19: {  	[tilespmem:s17], [sflag:$0x2] =	stream.linear.gather @!p0 [hbm4b:s9+s13], $0x400, $0x38;
	[tilespmem:$0x6628] =	vst v63  }
0x1a: {  	_ =	swait.ge @!p0 [sflag:s15], $0x400  }
0x1b: {  	[sflag:s15] =	ssyncset.done @!p0 $0x0  }
0x1c: {  	s31 =	sadd.s32 $0x20, s5;
	s16 =	simm.s32 @!p0 $0x1;
	[sflag:s15] =	ssyncadd.s32 @!p0 $0xFFFFFC00  }
0x1d: {  	[spmem:s3] =	stream.indirect.scatter.add.f32 @!p0 [tilespmem:s17], [sflag:$0x1], $0x8, s13, s17, $0xb8;
	[tilespmem:$0x6628] =	vst v63  }
0x1e: {  	s14 =	simm.s32 $0x40;
	p1 =	sgt.u32 s31, $0x1869;
	_ =	swait.ge @!p0 [sflag:s16], $0x400  }
0x1f: {  	s15 =	sadd.s32 $0x200, s10;
	s13 =	sadd.s32 $0x1000, s9;
	[sflag:s16] =	ssyncset.done @!p0 $0x0  }
.LBB2_2:
0x20: {  	s17 =	simm.s32 @!p1 $0x0;
	s18 =	simm.s32 @!p1 $0x2;
	[sflag:s16] =	ssyncadd.s32 @!p0 $0xFFFFFC00  }
0x21: {  	[tilespmem:s17], [sflag:$0x2] =	stream.linear.gather @!p1 [hbm4b:s15+s17], $0x80, $0x38;
	[tilespmem:$0x6628] =	vst v63  }
0x22: {  	s19 =	smov.u32 s14;
	s14 =	sadd.s32 $0x20, s14;
	_ =	swait.ge @!p1 [sflag:s18], $0x80  }
0x23: {  	p0 =	por p1, p1;
	p2 =	sne.s32 s14, $0x1880;
	[sflag:s18] =	ssyncset.done @!p1 $0x0  }
0x24: {  	s20 =	simm.s32 @!p0 $0x80;
	[sflag:s18] =	ssyncadd.s32 @!p0 $0xFFFFFF80  }
0x25: {  	[tilespmem:s20], [sflag:$0x2] =	stream.linear.gather @!p0 [hbm4b:s13+s17], $0x400, $0x38;
	[tilespmem:$0x6628] =	vst v63  }
0x26: {  	_ =	swait.ge @!p0 [sflag:s18], $0x400  }
.Ltmp0:
0x27: {  	[sflag:s18] =	ssyncset.done @!p0 $0x0;
	(pc) =	sbr.rel @p2 .LBB2_2-.Ltmp0, $4  }
0x28: {  	s16 =	simm.s32 @!p0 $0x1;
	[sflag:s18] =	ssyncadd.s32 @!p0 $0xFFFFFC00  }
0x29: {  	[spmem:s3] =	stream.indirect.scatter.add.f32 @!p0 [tilespmem:s20], [sflag:$0x1], $0x8, s17, s20, $0xb8;
	[tilespmem:$0x6628] =	vst v63  }
0x2a: {  	s15 =	sadd.s32 $0x200, s15;
	s17 =	sadd.s32 s19, s5;
	_ =	swait.ge @!p0 [sflag:s16], $0x400  }
0x2b: {  	s13 =	sadd.s32 $0x1000, s13;
	p1 =	sgt.u32 s17, $0x1869;
	[sflag:s16] =	ssyncset.done @!p0 $0x0  }
0x2c: {  	s14 =	simm.s32 @!p1 $0x0;
	s17 =	simm.s32 @!p1 $0x2;
	[sflag:s16] =	ssyncadd.s32 @!p0 $0xFFFFFC00  }
0x2d: {  	[tilespmem:s14], [sflag:$0x2] =	stream.linear.gather @!p1 [hbm4b:s15+s14], $0x80, $0x38;
	[tilespmem:$0x6628] =	vst v63  }
0x2e: {  	_ =	swait.ge @!p1 [sflag:s17], $0x80  }
0x2f: {  	p0 =	por p1, p1;
	[sflag:s17] =	ssyncset.done @!p1 $0x0  }
0x30: {  	s15 =	simm.s32 @!p0 $0x80;
	[sflag:s17] =	ssyncadd.s32 @!p0 $0xFFFFFF80  }
0x31: {  	[tilespmem:s15], [sflag:$0x2] =	stream.linear.gather @!p0 [hbm4b:s13+s14], $0x400, $0x38;
	[tilespmem:$0x6628] =	vst v63  }
0x32: {  	_ =	swait.ge @!p0 [sflag:s17], $0x400  }
0x33: {  	[sflag:s17] =	ssyncset.done @!p0 $0x0  }
0x34: {  	s13 =	simm.s32 @!p0 $0x1;
	[sflag:s17] =	ssyncadd.s32 @!p0 $0xFFFFFC00  }
0x35: {  	[spmem:s3] =	stream.indirect.scatter.add.f32 @!p0 [tilespmem:s15], [sflag:$0x1], $0x8, s14, s15, $0xb8;
	[tilespmem:$0x6628] =	vst v63  }
0x36: {  	_ =	swait.ge @!p0 [sflag:s13], $0x400  }
0x37: {  	s4 =	sadd.s32 $0x1, s4;
	[sflag:s13] =	ssyncset.done @!p0 $0x0  }
0x38: {  	[sflag:s13] =	ssyncadd.s32 @!p0 $0xFFFFFC00;
	p0 =	sne.s32 s4, s8  }
.Ltmp1:
0x39: {  	[bflag:$0x0] =	sbarrier.arrive $0xFFFF;
	(pc) =	sbr.rel @p0 .LBB2_1-.Ltmp1, $4  }
0x3a: {  	[hbm:s7], [sflag:s6] =	dma.local [spmem:s11], $0xC35  }
0x3b: {  	_ =	swait.ge [sflag:s12], $0xC35  }
0x3c: {  	[sflag:s12] =	ssyncset.done $0x0  }
0x3d: {  	[sflag:s12] =	ssyncadd.s32 $0xFFFFF3CB  }
0x3e: {  	_ =	sfence.sel $0x180000  }
0x3f: {  	[bflag:$0x0] =	sbarrier.arrive $0xFFFF  }
0x40: {  	p0 =	sne.s32 s2, $0x0;
	_ =	strace $0x9000004A  }
0x41: {  	s0 =	sadd.s32 @!p0 $0x100000, s0;
	[bflag:$0x2] =	sbarrier.arrive $0xFFFF  }
0x42: {  	[sflag:s0] =	ssyncadd.tile.s32 @!p0 $0x1;
	_ =	shalt  }
.Lfunc_end2:
_tile_overlayer_lowered:
.L_overlay_start_2:
0x43: {  	(tag) =	ssettag $0x2  }
0x44: {  	s0 =	rddreg [dreg:$0x0];
	s2 =	stileid.u32  }
0x45: {  	s1 =	rddreg [dreg:$0x1];
	p0 =	sne.s32 s2, $0x0  }
0x46: {  	s3 =	rddreg [dreg:$0x2];
	[bflag:$0x3] =	sbarrier.arrive $0xFFFF;
	s2 =	simm.s32 @!p0 $0x1C01  }
0x47: {  	[timem:s3], [sflag:s2] =	dma.local @!p0 [hbm:s0], s1  }
0x48: {  	s0 =	simm.s32 @!p0 $0x1  }
0x49: {  	_ =	swait.ge @!p0 [sflag:s0], s1  }
0x4a: {  	s1 =	ssub.s32 @!p0 $0x0, s1;
	[sflag:s0] =	ssyncset.done @!p0 $0x0  }
0x4b: {  	[sflag:s0] =	ssyncadd.s32 @!p0 s1  }
0x4c: {  	[bflag:$0x3] =	sbarrier.arrive $0xFFFF  }
0x4d: {  	_ =	shalt  }

// kernel: kernel.15.cloned.1.call-start
scs
__scs_entry_jumppad:
0x0: {  	(pc) =	sbr.rel $0x88, $3  }
0x1: {  	(tag) =	ssettag $0x0;
	lr =	simm.s32 $0x1  }
0x2: {  	[smem:$0x3F9D] =	sst lr;
	_ =	strace $0xD0000000  }
0x3: {  	_ = 	snop  }
0x4: {  	_ = 	snop  }
0x5: {  	_ = 	snop  }
0x6: {  	_ = 	snop  }
0x7: {  	_ = 	snop  }
__scs_overlays_trampoline_lowered:
0x8: {  	[smem:$0x3FAC] =	sst s0  }
0x9: {  	[smem:$0x3FAD] =	sst s1  }
0xa: {  	[smem:$0x3FAE] =	sst s2  }
0xb: {  	[smem:$0x3FAF] =	sst s3  }
0xc: {  	[smem:$0x3FB0] =	sst s4  }
0xd: {  	[smem:$0x3FB1] =	sst s5  }
0xe: {  	[smem:$0x3FB2] =	sst s6  }
0xf: {  	[smem:$0x3FB3] =	sst s7  }
0x10: {  	[smem:$0x3FB4] =	sst s8  }
0x11: {  	[smem:$0x3FB5] =	sst s9;
	s0 =	simm.s32 @!p0 $0x0  }
0x12: {  	s1 =	sld [smem:$0x3F9B];
	s0 =	simm.s32 @p0 $0x1  }
0x13: {  	[smem:$0x3FB6] =	sst s0;
	s0 =	simm.s32 @!p1 $0x0  }
0x14: {  	s2 =	sld [smem:$0x3F9A];
	s0 =	simm.s32 @p1 $0x1  }
0x15: {  	[smem:$0x3FB7] =	sst s0;
	s0 =	simm.s32 @!p2 $0x0  }
0x16: {  	s3 =	sld [smem:$0x3FDB];
	s0 =	simm.s32 @p2 $0x1  }
0x17: {  	s4 =	simm.s32 $0x1BF5;
	[smem:$0x3FB9] =	sst s0  }
0x18: {  	s0 =	sld [smem:$0x3F9C];
	_ =	swait.ge [sflag:s4], $0x0  }
0x19: {  	s7 =	sld [smem:$0x3F9D]  }
0x1a: {  	s8 =	sadd.s32 $0xFFFFE003, lr  }
0x1b: {  	s9 =	sadd.s32 $0xFFFFFEF7, lr;
	s5 =	simm.s32 $0xFFFFFFFF;
	p2 =	slt.u32 s8, $0xFFFFF086  }
0x1c: {  	p1 =	slt.u32 s9, $0xF7A;
	s5 =	simm.s32 @!p2 $0x0  }
0x1d: {  	s5 =	simm.s32 @p1 $0x1;
	p0 =	seq.s32 s7, s2  }
0x1e: {  	s7 =	smul.u32 @!p0 $0xF7A, s2;
	p2 =	seq.s32 @!p0 s5, $0x0  }
0x1f: {  	s9 =	smul.u32 $0xF7A, s1;
	s8 =	simm.s32 @!p0 $0x1BF5;
	p2 =	por !p2, p0  }
0x20: {  	[sflag:s8] =	ssyncset.s32 @!p0 $0xFFFFF086;
	s6 =	sadd.s32 @!p0 s3, s7;
	s7 =	simm.s32 @!p0 $0x108  }
0x21: {  	s3 =	sadd.s32 s3, s9;
	s6 =	sadd.s32 @!p0 $0x88, s6;
	s7 =	simm.s32 @p2 $0x1082  }
0x22: {  	[simem:s7], [sflag:s8] =	dma.local @!p0 [hbm:s6], $0xF7A  }
0x23: {  	s9 =	sor.u32 $0xD0000000, s2;
	s6 =	simm.s32 $0x108;
	_ =	swait.ge @!p0 [sflag:s8], $0x0  }
0x24: {  	s3 =	sadd.s32 $0x88, s3;
	s6 =	simm.s32 @!p1 $0x1082;
	[sflag:s4] =	ssyncset.s32 $0xFFFFF086  }
0x25: {  	[simem:s6], [sflag:s4] =	dma.local [hbm:s3], $0xF7A  }
0x26: {  	[smem:$0x3F9D] =	sst s1;
	(tag) =	ssettag s2;
	_ =	strace s9  }
0x27: {  	s1 =	sld [smem:$0x3FAD]  }
0x28: {  	s2 =	sld [smem:$0x3FAE]  }
0x29: {  	s4 =	sld [smem:$0x3FB0]  }
0x2a: {  	p0 =	seq.s32 s5, $0x0;
	s5 =	sld [smem:$0x3FB1]  }
0x2b: {  	s6 =	sld [smem:$0x3FB2]  }
0x2c: {  	s7 =	sld [smem:$0x3FB3]  }
0x2d: {  	s3 =	simm.s32 $0x108;
	s8 =	sld [smem:$0x3FB4]  }
0x2e: {  	s3 =	simm.s32 @!p0 $0x1082;
	s9 =	sld [smem:$0x3FB5]  }
0x2f: {  	lr =	sadd.s32 s0, s3;
	s0 =	sld [smem:$0x3FAC]  }
0x30: {  	s3 =	sld [smem:$0x3FAF]  }
0x31: {  	[smem:$0x3FB8] =	sst s10  }
0x32: {  	s10 =	sld [smem:$0x3FB6];
	_ =	sdelay $0x3  }
0x33: {  	p0 =	seq.s32 s10, $0x1;
	s10 =	sld [smem:$0x3FB8];
	_ =	sdelay $0x3  }
0x34: {  	[smem:$0x3FB8] =	sst s10  }
0x35: {  	s10 =	sld [smem:$0x3FB7];
	_ =	sdelay $0x3  }
0x36: {  	p1 =	seq.s32 s10, $0x1;
	s10 =	sld [smem:$0x3FB8];
	_ =	sdelay $0x3  }
0x37: {  	[smem:$0x3FB8] =	sst s10  }
0x38: {  	s10 =	sld [smem:$0x3FB9]  }
0x39: {  	_ = 	snop;
	(pc) =	sbr.ind lr, $3  }
0x3a: {  	_ = 	snop  }
0x3b: {  	_ = 	snop  }
0x3c: {  	p2 =	seq.s32 s10, $0x1;
	s10 =	sld [smem:$0x3FB8]  }
0x3d: {  	_ =	shalt  }
0x3e: {  	_ =	shalt  }
0x3f: {  	_ =	shalt  }
0x40: {  	_ =	shalt  }
0x41: {  	_ =	shalt  }
0x42: {  	_ =	shalt  }
0x43: {  	_ =	shalt  }
0x44: {  	_ =	shalt  }
0x45: {  	_ =	shalt  }
0x46: {  	_ =	shalt  }
0x47: {  	_ =	shalt  }
0x48: {  	_ =	shalt  }
0x49: {  	_ =	shalt  }
0x4a: {  	_ =	shalt  }
0x4b: {  	_ =	shalt  }
0x4c: {  	_ =	shalt  }
0x4d: {  	_ =	shalt  }
0x4e: {  	_ =	shalt  }
0x4f: {  	_ =	shalt  }
0x50: {  	_ =	shalt  }
0x51: {  	_ =	shalt  }
0x52: {  	_ =	shalt  }
0x53: {  	_ =	shalt  }
0x54: {  	_ =	shalt  }
0x55: {  	_ =	shalt  }
0x56: {  	_ =	shalt  }
0x57: {  	_ =	shalt  }
0x58: {  	_ =	shalt  }
0x59: {  	_ =	shalt  }
0x5a: {  	_ =	shalt  }
0x5b: {  	_ =	shalt  }
0x5c: {  	_ =	shalt  }
0x5d: {  	_ =	shalt  }
0x5e: {  	_ =	shalt  }
0x5f: {  	_ =	shalt  }
0x60: {  	_ =	shalt  }
0x61: {  	_ =	shalt  }
0x62: {  	_ =	shalt  }
0x63: {  	_ =	shalt  }
0x64: {  	_ =	shalt  }
0x65: {  	_ =	shalt  }
0x66: {  	_ =	shalt  }
0x67: {  	_ =	shalt  }
0x68: {  	_ =	shalt  }
0x69: {  	_ =	shalt  }
0x6a: {  	_ =	shalt  }
0x6b: {  	_ =	shalt  }
0x6c: {  	_ =	shalt  }
0x6d: {  	_ =	shalt  }
0x6e: {  	_ =	shalt  }
0x6f: {  	_ =	shalt  }
0x70: {  	_ =	shalt  }
0x71: {  	_ =	shalt  }
0x72: {  	_ =	shalt  }
0x73: {  	_ =	shalt  }
0x74: {  	_ =	shalt  }
0x75: {  	_ =	shalt  }
0x76: {  	_ =	shalt  }
0x77: {  	_ =	shalt  }
0x78: {  	_ =	shalt  }
0x79: {  	_ =	shalt  }
0x7a: {  	_ =	shalt  }
0x7b: {  	_ =	shalt  }
0x7c: {  	_ =	shalt  }
0x7d: {  	_ =	shalt  }
0x7e: {  	_ =	shalt  }
0x7f: {  	_ =	shalt  }
0x80: {  	_ =	shalt  }
0x81: {  	_ =	shalt  }
0x82: {  	_ =	shalt  }
0x83: {  	_ =	shalt  }
0x84: {  	_ =	shalt  }
0x85: {  	_ =	shalt  }
0x86: {  	_ =	shalt  }
0x87: {  	_ =	shalt  }
.Lfunc_end0:
.L_simem_size_0:
called_computation.3_lowered:
.L_overlay_start_0:
0x88: {  	s2 =	sld [smem:$0x3FD9]  }
0x89: {  	s3 =	sld [smem:$0x3FFE];
	_ =	sdelay $0x1  }
0x8a: {  	s1 =	srdreg.scid  }
0x8b: {  	s0 =	sand.u32 $0x1, s1  }
0x8c: {  	s14 =	sshll.u32 s0, $0xA;
	s2 =	sadd.s32 s3, s2  }
0x8d: {  	s2 =	sadd.s32 s2, s14  }
0x8e: {  	[smem:$0x3FC4] =	sst s2  }
0x8f: {  	_ = 	snop  }
0x90: {  	s2 =	sld [smem:$0x3FD0];
	_ =	sdelay $0x2  }
0x91: {  	s15 =	simm.s32 $0xB;
	s4 =	simm.s32 $0x10  }
0x92: {  	[smem:s4], [sflag:s15] =	dma.local [hbm:s2], $0x1  }
0x93: {  	_ =	swait.eq [sflag:s15], $0x1  }
0x94: {  	[sflag:s15] =	ssyncset.done $0x0  }
0x95: {  	[sflag:s15] =	ssyncadd.s32 $0xFFFFFFFF  }
0x96: {  	s16 =	sld [smem:$0x10];
	(tm) =	ssettm $0x1  }
0x97: {  	s17 =	sld [smem:$0x3FFB];
	_ =	sdelay $0x3  }
0x98: {  	_ =	strace s17  }
0x99: {  	s3 =	sld [smem:$0x3FFC];
	_ =	sdelay $0x3  }
0x9a: {  	_ =	strace s3  }
0x9b: {  	s3 =	sld [smem:$0x3FFD];
	_ =	sdelay $0x3  }
0x9c: {  	_ =	strace s3  }
0x9d: {  	_ =	strace $0x8FFFFFFF  }
0x9e: {  	s18 =	sld [smem:$0x3FDB];
	_ =	sdelay $0x1  }
0x9f: {  	s19 =	simm.s32 $_scs_section_size  }
0xa0: {  	s5 =	simm.s32 $_size__tile_overlayer_lowered;
	s6 =	simm.s32 $_tile_overlayer_lowered  }
0xa1: {  	s22 =	simm.s32 $0x1BFF;
	s21 =	sshll.u32 s6, $0x1;
	s3 =	sadd.s32 s19, s18  }
0xa2: {  	s7 =	simm.s32 $0x0;
	s20 =	sshll.u32 s5, $0x1;
	s5 =	sadd.s32 s21, s3  }
0xa3: {  	[timem:s7], [sflag:s22] =	dma.local [hbm:s5], s20  }
0xa4: {  	_ =	swait.ge [sflag:s22], s20  }
0xa5: {  	s4 =	ssub.s32 $0x0, s20;
	[sflag:s22] =	ssyncset.done $0x0  }
0xa6: {  	[sflag:s22] =	ssyncadd.s32 s4;
	_ =	sdelay $0x1  }
0xa7: {  	s23 =	simm.s32 $0x1B8B  }
0xa8: {  	_ =	swait.ge [sflag:s23], $0x1  }
0xa9: {  	[sflag:s23] =	ssyncset.done $0x0  }
0xaa: {  	s25 =	simm.s32 $0x1B8E;
	s24 =	sld [smem:$0x3FFE];
	[sflag:s23] =	ssyncadd.s32 $0xFFFFFFFF  }
0xab: {  	s26 =	simm.s32 $execute0_lowered;
	[smem:$0x3FD2] =	sst s25  }
0xac: {  	s5 =	sshll.u32 s26, $0x1;
	_ =	strace $0x8000004C;
	[dreg:$0x1] =	wrdreg $0xFFFFFFFF  }
0xad: {  	s28 =	simm.s32 $_size_execute0_lowered;
	s3 =	sadd.s32 s3, s5;
	[dreg:$0x0] =	wrdreg $0x0  }
0xae: {  	s5 =	sshll.u32 s28, $0x1;
	[dreg:$0x2] =	wrdreg s3  }
0xaf: {  	[dreg:$0x3] =	wrdreg s5  }
0xb0: {  	[dreg:$0x4] =	wrdreg $0xC0  }
0xb1: {  	_ =	task [dreg:s7], $0x5FFFF  }
0xb2: {  	[dreg:$0x1] =	wrdreg $0xFFFFFFFF  }
0xb3: {  	[dreg:$0x0] =	wrdreg $0x60  }
0xb4: {  	[dreg:$0x2] =	wrdreg s16  }
0xb5: {  	[dreg:$0x3] =	wrdreg s24  }
0xb6: {  	[dreg:$0x4] =	wrdreg $0xA  }
0xb7: {  	_ =	task.clear_ibuf [dreg:s7], $0x5FFFF;
	_ =	strace $0x9000004C  }
0xb8: {  	s29 =	simm.s32 $0xA;
	_ =	strace $0x8000004E  }
0xb9: {  	_ =	swait.ge [sflag:s29], $0x1  }
0xba: {  	[sflag:s29] =	ssyncadd.s32 $0xFFFFFFFF  }
0xbb: {  	_ =	strace $0x9000004E  }
0xbc: {  	_ =	sfence  }
0xbd: {  	s30 =	sld [smem:$0x0];
	_ =	sdelay $0x2  }
0xbe: {  	s31 =	sshll.u32 s1, $0xD;
	s1 =	sshrl.u32 s1, $0x2  }
0xbf: {  	s3 =	sand.u32 $0x4000, s31;
	s1 =	sadd.s32 s1, s30  }
0xc0: {  	s0 =	sor.u32 s3, s0;
	s1 =	sshll.u32 s1, $0x11  }
0xc1: {  	s0 =	sor.u32 s1, s0  }
0xc2: {  	s0 =	sadd.s32 $0x8F2B, s0  }
0xc3: {  	[sflag:s0] =	ssyncadd.remote.s32 $0x1  }
0xc4: {  	_ =	sfence.sel $0xFFFF  }
0xc5: {  	[dreg:$0x0] =	wrdreg $0xFFFFFFFF;
	(pc) =	sbr.abs _section_cstart, $3  }
0xc6: {  	[dreg:$0x1] =	wrdreg $0xFFFFFFFF  }
0xc7: {  	_ =	task.clear_ibuf [dreg:s7], $0x2FFFF;
	_ =	strace $0x9FFFFFFF  }
0xc8: {  	(tm) =	ssettm $0x7FFFFFFF  }
0xc9: {  	_ =	shalt  }
tec
execute0_lowered:
.L_overlay_start_1:
0x0: {  	(tag) =	ssettag $0x1  }
0x1: {  	s1 =	rddreg [dreg:$0x0]  }
0x2: {  	s4 =	rddreg [dreg:$0x1]  }
0x3: {  	s0 =	rddreg [dreg:$0x2]  }
0x4: {  	s3 =	simm.s32 $0x0;
	s5 =	srdreg.scid;
	s2 =	stileid.u32  }
0x5: {  	[smem:$0x7FF] =	sst s3;
	s5 =	sand.u32 $0x1, s5;
	s6 =	sshll.u32 s2, $0x5  }
0x6: {  	s7 =	sshll.u32 s2, $0x8;
	_ =	strace $0x8000004D;
	s8 =	ssub.s32 $0x2, s5  }
0x7: {  	s6 =	sadd.s32 s6, s4;
	s7 =	sadd.s32 s7, s4;
	s9 =	sshll.u32 s5, $0x7  }
0x8: {  	s5 =	sshll.u32 s5, $0x4;
	s4 =	sshll.u32 s2, $0x1;
	s30 =	sshrl.u32 s8, $0x1  }
0x9: {  	s7 =	sadd.s32 s9, s7;
	s31 =	sadd.s32 s5, s6;
	s8 =	ssub.s32 s8, s30  }
0xa: {  	s6 =	sadd.s32 $0x19C00, s7;
	s7 =	sadd.s32 $0x1400, s31;
	s5 =	smax.u32 s8, $0x1  }
.LBB2_1:
0xb: {  	s8 =	sadd.s32 $0x0, s4  }
0xc: {  	p0 =	sgt.u32 s8, $0x1869  }
0xd: {  	s8 =	simm.s32 @!p0 $0x0;
	s9 =	simm.s32 @!p0 $0x3  }
0xe: {  	[tilespmem:s8], [sflag:$0x3] =	stream.linear.gather @!p0 [hbm4b:s7+s8], $0x80, $0x38;
	[tilespmem:$0x480] =	vst v63  }
0xf: {  	_ =	swait.ge @!p0 [sflag:s9], $0x80  }
0x10: {  	[sflag:s9] =	ssyncset.done @!p0 $0x0;
	p0 =	por p0, p0  }
0x11: {  	[sflag:s9] =	ssyncadd.s32 @!p0 $0xFFFFFF80;
	s10 =	simm.s32 @!p0 $0x80;
	s11 =	simm.s32 @!p0 $0x1  }
0x12: {  	[tilespmem:s10], [sflag:$0x1] =	stream.indirect.gather @!p0 [hbm4b:s1+s10], $0x8, s8, s10, $0xb8;
	[tilespmem:$0x480] =	vst v63  }
0x13: {  	_ =	swait.ge @!p0 [sflag:s11], $0x400  }
0x14: {  	[sflag:s11] =	ssyncset.done @!p0 $0x0  }
0x15: {  	s31 =	sadd.s32 $0x20, s4;
	[sflag:s11] =	ssyncadd.s32 @!p0 $0xFFFFFC00;
	s11 =	simm.s32 @!p0 $0x2  }
0x16: {  	[hbm4b:s6+s8] =	stream.linear.scatter @!p0 [tilespmem:s10], [sflag:$0x2], $0x400, $0x38;
	[tilespmem:$0x480] =	vst v63  }
0x17: {  	p1 =	sgt.u32 s31, $0x1869;
	s9 =	simm.s32 $0x40;
	_ =	swait.ge @!p0 [sflag:s11], $0x400  }
0x18: {  	s10 =	sadd.s32 $0x200, s7;
	s8 =	sadd.s32 $0x1000, s6;
	[sflag:s11] =	ssyncset.done @!p0 $0x0  }
.LBB2_2:
0x19: {  	s12 =	simm.s32 @!p1 $0x0;
	s13 =	simm.s32 @!p1 $0x3;
	[sflag:s11] =	ssyncadd.s32 @!p0 $0xFFFFFC00  }
0x1a: {  	[tilespmem:s12], [sflag:$0x3] =	stream.linear.gather @!p1 [hbm4b:s10+s12], $0x80, $0x38;
	[tilespmem:$0x480] =	vst v63  }
0x1b: {  	s14 =	smov.u32 s9;
	s9 =	sadd.s32 $0x20, s9;
	_ =	swait.ge @!p1 [sflag:s13], $0x80  }
0x1c: {  	p0 =	por p1, p1;
	p2 =	sne.s32 s9, $0x1880;
	[sflag:s13] =	ssyncset.done @!p1 $0x0  }
0x1d: {  	s11 =	simm.s32 @!p0 $0x1;
	[sflag:s13] =	ssyncadd.s32 @!p0 $0xFFFFFF80;
	s13 =	simm.s32 @!p0 $0x80  }
0x1e: {  	[tilespmem:s13], [sflag:$0x1] =	stream.indirect.gather @!p0 [hbm4b:s1+s13], $0x8, s12, s13, $0xb8;
	[tilespmem:$0x480] =	vst v63  }
0x1f: {  	_ =	swait.ge @!p0 [sflag:s11], $0x400  }
.Ltmp0:
0x20: {  	[sflag:s11] =	ssyncset.done @!p0 $0x0;
	(pc) =	sbr.rel @p2 .LBB2_2-.Ltmp0, $4  }
0x21: {  	[sflag:s11] =	ssyncadd.s32 @!p0 $0xFFFFFC00;
	s11 =	simm.s32 @!p0 $0x2  }
0x22: {  	[hbm4b:s8+s12] =	stream.linear.scatter @!p0 [tilespmem:s13], [sflag:$0x2], $0x400, $0x38;
	[tilespmem:$0x480] =	vst v63  }
0x23: {  	s10 =	sadd.s32 $0x200, s10;
	s12 =	sadd.s32 s14, s4;
	_ =	swait.ge @!p0 [sflag:s11], $0x400  }
0x24: {  	s8 =	sadd.s32 $0x1000, s8;
	p1 =	sgt.u32 s12, $0x1869;
	[sflag:s11] =	ssyncset.done @!p0 $0x0  }
0x25: {  	s9 =	simm.s32 @!p1 $0x0;
	s12 =	simm.s32 @!p1 $0x3;
	[sflag:s11] =	ssyncadd.s32 @!p0 $0xFFFFFC00  }
0x26: {  	[tilespmem:s9], [sflag:$0x3] =	stream.linear.gather @!p1 [hbm4b:s10+s9], $0x80, $0x38;
	[tilespmem:$0x480] =	vst v63  }
0x27: {  	_ =	swait.ge @!p1 [sflag:s12], $0x80  }
0x28: {  	p0 =	por p1, p1;
	[sflag:s12] =	ssyncset.done @!p1 $0x0  }
0x29: {  	s10 =	simm.s32 @!p0 $0x80;
	s11 =	simm.s32 @!p0 $0x1;
	[sflag:s12] =	ssyncadd.s32 @!p0 $0xFFFFFF80  }
0x2a: {  	[tilespmem:s10], [sflag:$0x1] =	stream.indirect.gather @!p0 [hbm4b:s1+s10], $0x8, s9, s10, $0xb8;
	[tilespmem:$0x480] =	vst v63  }
0x2b: {  	s3 =	sadd.s32 $0x1, s3;
	_ =	swait.ge @!p0 [sflag:s11], $0x400  }
0x2c: {  	p1 =	sne.s32 s3, s5;
	[sflag:s11] =	ssyncset.done @!p0 $0x0  }
.Ltmp1:
0x2d: {  	[sflag:s11] =	ssyncadd.s32 @!p0 $0xFFFFFC00;
	s11 =	simm.s32 @!p0 $0x2;
	(pc) =	sbr.rel @p1 .LBB2_1-.Ltmp1, $4  }
0x2e: {  	[hbm4b:s8+s9] =	stream.linear.scatter @!p0 [tilespmem:s10], [sflag:$0x2], $0x400, $0x38;
	[tilespmem:$0x480] =	vst v63  }
0x2f: {  	_ =	swait.ge @!p0 [sflag:s11], $0x400  }
0x30: {  	[sflag:s11] =	ssyncset.done @!p0 $0x0  }
0x31: {  	[sflag:s11] =	ssyncadd.s32 @!p0 $0xFFFFFC00  }
0x32: {  	_ =	sfence.sel $0x180000  }
0x33: {  	[bflag:$0x0] =	sbarrier.arrive $0xFFFF  }
0x34: {  	p0 =	sne.s32 s2, $0x0;
	_ =	strace $0x9000004D  }
0x35: {  	s0 =	sadd.s32 @!p0 $0x100000, s0;
	[bflag:$0x2] =	sbarrier.arrive $0xFFFF  }
0x36: {  	[sflag:s0] =	ssyncadd.tile.s32 @!p0 $0x1;
	_ =	shalt  }
.Lfunc_end2:
_tile_overlayer_lowered:
.L_overlay_start_2:
0x37: {  	(tag) =	ssettag $0x2  }
0x38: {  	s0 =	rddreg [dreg:$0x0];
	s2 =	stileid.u32  }
0x39: {  	s1 =	rddreg [dreg:$0x1];
	p0 =	sne.s32 s2, $0x0  }
0x3a: {  	s3 =	rddreg [dreg:$0x2];
	[bflag:$0x3] =	sbarrier.arrive $0xFFFF;
	s2 =	simm.s32 @!p0 $0x1C02  }
0x3b: {  	[timem:s3], [sflag:s2] =	dma.local @!p0 [hbm:s0], s1  }
0x3c: {  	s0 =	simm.s32 @!p0 $0x2  }
0x3d: {  	_ =	swait.ge @!p0 [sflag:s0], s1  }
0x3e: {  	s1 =	ssub.s32 @!p0 $0x0, s1;
	[sflag:s0] =	ssyncset.done @!p0 $0x0  }
0x3f: {  	[sflag:s0] =	ssyncadd.s32 @!p0 s1  }
0x40: {  	[bflag:$0x3] =	sbarrier.arrive $0xFFFF  }
0x41: {  	_ =	shalt  }

// kernel: kernel.9.cloned.1.call-start
scs
__scs_entry_jumppad:
0x0: {  	(pc) =	sbr.rel $0x88, $3  }
0x1: {  	(tag) =	ssettag $0x0;
	lr =	simm.s32 $0x1  }
0x2: {  	[smem:$0x3F9D] =	sst lr;
	_ =	strace $0xD0000000  }
0x3: {  	_ = 	snop  }
0x4: {  	_ = 	snop  }
0x5: {  	_ = 	snop  }
0x6: {  	_ = 	snop  }
0x7: {  	_ = 	snop  }
__scs_overlays_trampoline_lowered:
0x8: {  	[smem:$0x3FAC] =	sst s0  }
0x9: {  	[smem:$0x3FAD] =	sst s1  }
0xa: {  	[smem:$0x3FAE] =	sst s2  }
0xb: {  	[smem:$0x3FAF] =	sst s3  }
0xc: {  	[smem:$0x3FB0] =	sst s4  }
0xd: {  	[smem:$0x3FB1] =	sst s5  }
0xe: {  	[smem:$0x3FB2] =	sst s6  }
0xf: {  	[smem:$0x3FB3] =	sst s7  }
0x10: {  	[smem:$0x3FB4] =	sst s8  }
0x11: {  	[smem:$0x3FB5] =	sst s9;
	s0 =	simm.s32 @!p0 $0x0  }
0x12: {  	s1 =	sld [smem:$0x3F9B];
	s0 =	simm.s32 @p0 $0x1  }
0x13: {  	[smem:$0x3FB6] =	sst s0;
	s0 =	simm.s32 @!p1 $0x0  }
0x14: {  	s2 =	sld [smem:$0x3F9A];
	s0 =	simm.s32 @p1 $0x1  }
0x15: {  	[smem:$0x3FB7] =	sst s0;
	s0 =	simm.s32 @!p2 $0x0  }
0x16: {  	s3 =	sld [smem:$0x3FDB];
	s0 =	simm.s32 @p2 $0x1  }
0x17: {  	s4 =	simm.s32 $0x1BF5;
	[smem:$0x3FB9] =	sst s0  }
0x18: {  	s0 =	sld [smem:$0x3F9C];
	_ =	swait.ge [sflag:s4], $0x0  }
0x19: {  	s7 =	sld [smem:$0x3F9D]  }
0x1a: {  	s8 =	sadd.s32 $0xFFFFE003, lr  }
0x1b: {  	s9 =	sadd.s32 $0xFFFFFEF7, lr;
	s5 =	simm.s32 $0xFFFFFFFF;
	p2 =	slt.u32 s8, $0xFFFFF086  }
0x1c: {  	p1 =	slt.u32 s9, $0xF7A;
	s5 =	simm.s32 @!p2 $0x0  }
0x1d: {  	s5 =	simm.s32 @p1 $0x1;
	p0 =	seq.s32 s7, s2  }
0x1e: {  	s7 =	smul.u32 @!p0 $0xF7A, s2;
	p2 =	seq.s32 @!p0 s5, $0x0  }
0x1f: {  	s9 =	smul.u32 $0xF7A, s1;
	s8 =	simm.s32 @!p0 $0x1BF5;
	p2 =	por !p2, p0  }
0x20: {  	[sflag:s8] =	ssyncset.s32 @!p0 $0xFFFFF086;
	s6 =	sadd.s32 @!p0 s3, s7;
	s7 =	simm.s32 @!p0 $0x108  }
0x21: {  	s3 =	sadd.s32 s3, s9;
	s6 =	sadd.s32 @!p0 $0x88, s6;
	s7 =	simm.s32 @p2 $0x1082  }
0x22: {  	[simem:s7], [sflag:s8] =	dma.local @!p0 [hbm:s6], $0xF7A  }
0x23: {  	s9 =	sor.u32 $0xD0000000, s2;
	s6 =	simm.s32 $0x108;
	_ =	swait.ge @!p0 [sflag:s8], $0x0  }
0x24: {  	s3 =	sadd.s32 $0x88, s3;
	s6 =	simm.s32 @!p1 $0x1082;
	[sflag:s4] =	ssyncset.s32 $0xFFFFF086  }
0x25: {  	[simem:s6], [sflag:s4] =	dma.local [hbm:s3], $0xF7A  }
0x26: {  	[smem:$0x3F9D] =	sst s1;
	(tag) =	ssettag s2;
	_ =	strace s9  }
0x27: {  	s1 =	sld [smem:$0x3FAD]  }
0x28: {  	s2 =	sld [smem:$0x3FAE]  }
0x29: {  	s4 =	sld [smem:$0x3FB0]  }
0x2a: {  	p0 =	seq.s32 s5, $0x0;
	s5 =	sld [smem:$0x3FB1]  }
0x2b: {  	s6 =	sld [smem:$0x3FB2]  }
0x2c: {  	s7 =	sld [smem:$0x3FB3]  }
0x2d: {  	s3 =	simm.s32 $0x108;
	s8 =	sld [smem:$0x3FB4]  }
0x2e: {  	s3 =	simm.s32 @!p0 $0x1082;
	s9 =	sld [smem:$0x3FB5]  }
0x2f: {  	lr =	sadd.s32 s0, s3;
	s0 =	sld [smem:$0x3FAC]  }
0x30: {  	s3 =	sld [smem:$0x3FAF]  }
0x31: {  	[smem:$0x3FB8] =	sst s10  }
0x32: {  	s10 =	sld [smem:$0x3FB6];
	_ =	sdelay $0x3  }
0x33: {  	p0 =	seq.s32 s10, $0x1;
	s10 =	sld [smem:$0x3FB8];
	_ =	sdelay $0x3  }
0x34: {  	[smem:$0x3FB8] =	sst s10  }
0x35: {  	s10 =	sld [smem:$0x3FB7];
	_ =	sdelay $0x3  }
0x36: {  	p1 =	seq.s32 s10, $0x1;
	s10 =	sld [smem:$0x3FB8];
	_ =	sdelay $0x3  }
0x37: {  	[smem:$0x3FB8] =	sst s10  }
0x38: {  	s10 =	sld [smem:$0x3FB9]  }
0x39: {  	_ = 	snop;
	(pc) =	sbr.ind lr, $3  }
0x3a: {  	_ = 	snop  }
0x3b: {  	_ = 	snop  }
0x3c: {  	p2 =	seq.s32 s10, $0x1;
	s10 =	sld [smem:$0x3FB8]  }
0x3d: {  	_ =	shalt  }
0x3e: {  	_ =	shalt  }
0x3f: {  	_ =	shalt  }
0x40: {  	_ =	shalt  }
0x41: {  	_ =	shalt  }
0x42: {  	_ =	shalt  }
0x43: {  	_ =	shalt  }
0x44: {  	_ =	shalt  }
0x45: {  	_ =	shalt  }
0x46: {  	_ =	shalt  }
0x47: {  	_ =	shalt  }
0x48: {  	_ =	shalt  }
0x49: {  	_ =	shalt  }
0x4a: {  	_ =	shalt  }
0x4b: {  	_ =	shalt  }
0x4c: {  	_ =	shalt  }
0x4d: {  	_ =	shalt  }
0x4e: {  	_ =	shalt  }
0x4f: {  	_ =	shalt  }
0x50: {  	_ =	shalt  }
0x51: {  	_ =	shalt  }
0x52: {  	_ =	shalt  }
0x53: {  	_ =	shalt  }
0x54: {  	_ =	shalt  }
0x55: {  	_ =	shalt  }
0x56: {  	_ =	shalt  }
0x57: {  	_ =	shalt  }
0x58: {  	_ =	shalt  }
0x59: {  	_ =	shalt  }
0x5a: {  	_ =	shalt  }
0x5b: {  	_ =	shalt  }
0x5c: {  	_ =	shalt  }
0x5d: {  	_ =	shalt  }
0x5e: {  	_ =	shalt  }
0x5f: {  	_ =	shalt  }
0x60: {  	_ =	shalt  }
0x61: {  	_ =	shalt  }
0x62: {  	_ =	shalt  }
0x63: {  	_ =	shalt  }
0x64: {  	_ =	shalt  }
0x65: {  	_ =	shalt  }
0x66: {  	_ =	shalt  }
0x67: {  	_ =	shalt  }
0x68: {  	_ =	shalt  }
0x69: {  	_ =	shalt  }
0x6a: {  	_ =	shalt  }
0x6b: {  	_ =	shalt  }
0x6c: {  	_ =	shalt  }
0x6d: {  	_ =	shalt  }
0x6e: {  	_ =	shalt  }
0x6f: {  	_ =	shalt  }
0x70: {  	_ =	shalt  }
0x71: {  	_ =	shalt  }
0x72: {  	_ =	shalt  }
0x73: {  	_ =	shalt  }
0x74: {  	_ =	shalt  }
0x75: {  	_ =	shalt  }
0x76: {  	_ =	shalt  }
0x77: {  	_ =	shalt  }
0x78: {  	_ =	shalt  }
0x79: {  	_ =	shalt  }
0x7a: {  	_ =	shalt  }
0x7b: {  	_ =	shalt  }
0x7c: {  	_ =	shalt  }
0x7d: {  	_ =	shalt  }
0x7e: {  	_ =	shalt  }
0x7f: {  	_ =	shalt  }
0x80: {  	_ =	shalt  }
0x81: {  	_ =	shalt  }
0x82: {  	_ =	shalt  }
0x83: {  	_ =	shalt  }
0x84: {  	_ =	shalt  }
0x85: {  	_ =	shalt  }
0x86: {  	_ =	shalt  }
0x87: {  	_ =	shalt  }
.Lfunc_end0:
.L_simem_size_0:
called_computation.1_lowered:
.L_overlay_start_0:
0x88: {  	s2 =	sld [smem:$0x3FD9]  }
0x89: {  	s3 =	sld [smem:$0x3FFE];
	_ =	sdelay $0x1  }
0x8a: {  	s1 =	srdreg.scid  }
0x8b: {  	s0 =	sand.u32 $0x1, s1  }
0x8c: {  	s14 =	sshll.u32 s0, $0xA;
	s2 =	sadd.s32 s3, s2  }
0x8d: {  	s2 =	sadd.s32 s2, s14  }
0x8e: {  	[smem:$0x3FC4] =	sst s2  }
0x8f: {  	_ = 	snop  }
0x90: {  	s2 =	sld [smem:$0x3FD0];
	_ =	sdelay $0x2  }
0x91: {  	s15 =	simm.s32 $0xB;
	s4 =	simm.s32 $0x10  }
0x92: {  	[smem:s4], [sflag:s15] =	dma.local [hbm:s2], $0x1  }
0x93: {  	_ =	swait.eq [sflag:s15], $0x1  }
0x94: {  	[sflag:s15] =	ssyncset.done $0x0  }
0x95: {  	s16 =	sld [smem:$0x10];
	[sflag:s15] =	ssyncadd.s32 $0xFFFFFFFF  }
0x96: {  	s17 =	sld [smem:$0x11];
	(tm) =	ssettm $0x1  }
0x97: {  	s18 =	sld [smem:$0x3FFB];
	_ =	sdelay $0x3  }
0x98: {  	_ =	strace s18  }
0x99: {  	s4 =	sld [smem:$0x3FFC];
	_ =	sdelay $0x3  }
0x9a: {  	_ =	strace s4  }
0x9b: {  	s4 =	sld [smem:$0x3FFD];
	_ =	sdelay $0x3  }
0x9c: {  	_ =	strace s4  }
0x9d: {  	_ =	strace $0x8FFFFFFF  }
0x9e: {  	s19 =	sld [smem:$0x3FDB];
	_ =	sdelay $0x1  }
0x9f: {  	s5 =	simm.s32 $_scs_section_size  }
0xa0: {  	s6 =	simm.s32 $_size__tile_overlayer_lowered;
	s7 =	simm.s32 $_tile_overlayer_lowered  }
0xa1: {  	s22 =	simm.s32 $0x1BFF;
	s21 =	sshll.u32 s7, $0x1;
	s4 =	sadd.s32 s5, s19  }
0xa2: {  	s8 =	simm.s32 $0x0;
	s20 =	sshll.u32 s6, $0x1;
	s6 =	sadd.s32 s21, s4  }
0xa3: {  	[timem:s8], [sflag:s22] =	dma.local [hbm:s6], s20  }
0xa4: {  	_ =	swait.ge [sflag:s22], s20  }
0xa5: {  	s5 =	ssub.s32 $0x0, s20;
	[sflag:s22] =	ssyncset.done $0x0  }
0xa6: {  	[sflag:s22] =	ssyncadd.s32 s5;
	_ =	sdelay $0x1  }
0xa7: {  	s23 =	simm.s32 $0x1B8B  }
0xa8: {  	_ =	swait.ge [sflag:s23], $0x1  }
0xa9: {  	[sflag:s23] =	ssyncset.done $0x0  }
0xaa: {  	s25 =	simm.s32 $0x1B8E;
	s24 =	sld [smem:$0x3FFE];
	[sflag:s23] =	ssyncadd.s32 $0xFFFFFFFF  }
0xab: {  	s26 =	simm.s32 $execute0_lowered;
	[smem:$0x3FD2] =	sst s25  }
0xac: {  	s6 =	sshll.u32 s26, $0x1;
	_ =	strace $0x80000046;
	[dreg:$0x1] =	wrdreg $0xFFFFFFFF  }
0xad: {  	s28 =	simm.s32 $_size_execute0_lowered;
	s4 =	sadd.s32 s4, s6;
	[dreg:$0x0] =	wrdreg $0x0  }
0xae: {  	s6 =	sshll.u32 s28, $0x1;
	[dreg:$0x2] =	wrdreg s4  }
0xaf: {  	[dreg:$0x3] =	wrdreg s6  }
0xb0: {  	[dreg:$0x4] =	wrdreg $0xC0  }
0xb1: {  	_ =	task [dreg:s8], $0x5FFFF  }
0xb2: {  	[dreg:$0x1] =	wrdreg $0xFFFFFFFF  }
0xb3: {  	[dreg:$0x0] =	wrdreg $0x60  }
0xb4: {  	[dreg:$0x2] =	wrdreg s16  }
0xb5: {  	[dreg:$0x3] =	wrdreg s17  }
0xb6: {  	[dreg:$0x4] =	wrdreg s24  }
0xb7: {  	[dreg:$0x5] =	wrdreg $0x9  }
0xb8: {  	_ =	task.clear_ibuf [dreg:s8], $0x6FFFF;
	_ =	strace $0x90000046  }
0xb9: {  	s29 =	simm.s32 $0x9;
	_ =	strace $0x80000048  }
0xba: {  	_ =	swait.ge [sflag:s29], $0x1  }
0xbb: {  	[sflag:s29] =	ssyncadd.s32 $0xFFFFFFFF  }
0xbc: {  	_ =	strace $0x90000048  }
0xbd: {  	_ =	sfence  }
0xbe: {  	s30 =	sld [smem:$0x0];
	_ =	sdelay $0x2  }
0xbf: {  	s31 =	sshll.u32 s1, $0xD;
	s1 =	sshrl.u32 s1, $0x2  }
0xc0: {  	s3 =	sand.u32 $0x4000, s31;
	s1 =	sadd.s32 s1, s30  }
0xc1: {  	s0 =	sor.u32 s3, s0;
	s1 =	sshll.u32 s1, $0x11  }
0xc2: {  	s0 =	sor.u32 s1, s0  }
0xc3: {  	s0 =	sadd.s32 $0x8F2B, s0  }
0xc4: {  	[sflag:s0] =	ssyncadd.remote.s32 $0x1  }
0xc5: {  	_ =	sfence.sel $0xFFFF  }
0xc6: {  	[dreg:$0x0] =	wrdreg $0xFFFFFFFF;
	(pc) =	sbr.abs _section_cstart, $3  }
0xc7: {  	[dreg:$0x1] =	wrdreg $0xFFFFFFFF  }
0xc8: {  	_ =	task.clear_ibuf [dreg:s8], $0x2FFFF;
	_ =	strace $0x9FFFFFFF  }
0xc9: {  	(tm) =	ssettm $0x7FFFFFFF  }
tec
execute0_lowered:
.L_overlay_start_1:
0x0: {  	(tag) =	ssettag $0x1  }
0x1: {  	s1 =	rddreg [dreg:$0x0]  }
0x2: {  	s7 =	rddreg [dreg:$0x1]  }
0x3: {  	s4 =	rddreg [dreg:$0x2]  }
0x4: {  	s0 =	rddreg [dreg:$0x3]  }
0x5: {  	s3 =	simm.s32 $0x0;
	s5 =	srdreg.scid;
	s2 =	stileid.u32  }
0x6: {  	[smem:$0x7FF] =	sst s3;
	s6 =	sand.u32 $0x1, s5;
	s8 =	sshll.u32 s2, $0x5  }
0x7: {  	s26 =	sshll.u32 s2, $0xB;
	_ =	strace $0x80000047;
	s9 =	ssub.s32 $0x2, s6  }
0x8: {  	s10 =	sadd.s32 s8, s4;
	s11 =	sadd.s32 s26, s4;
	s4 =	sshll.u32 s2, $0x1  }
0x9: {  	s30 =	sshll.u32 s6, $0x4;
	s12 =	sshll.u32 s6, $0xA;
	s7 =	sadd.s32 s8, s7  }
0xa: {  	s28 =	sshrl.u32 s9, $0x1;
	s10 =	sadd.s32 s30, s10;
	s31 =	sadd.s32 s12, s11  }
0xb: {  	s7 =	sadd.s32 s30, s7;
	s29 =	ssub.s32 s9, s28;
	s6 =	sadd.s32 $0x1400, s10  }
0xc: {  	s8 =	sadd.s32 $0x19C00, s31;
	s9 =	sadd.s32 $0x634400, s31;
	s5 =	smax.u32 s29, $0x1  }
.LBB2_1:
0xd: {  	p0 =	sgt.u32 s4, $0x1869  }
0xe: {  	s10 =	sadd.s32 @!p0 $0x0, s7;
	s11 =	simm.s32 @!p0 $0x0;
	s14 =	simm.s32 @!p0 $0x4  }
0xf: {  	[tilespmem:s11], [sflag:$0x4] =	stream.linear.gather @!p0 [hbm4b:s10+s11], $0x80, $0x38;
	[tilespmem:$0x4100] =	vst v63  }
0x10: {  	_ =	swait.ge @!p0 [sflag:s14], $0x80;
	p0 =	por p0, p0  }
0x11: {  	[sflag:s14] =	ssyncset.done @!p0 $0x0  }
0x12: {  	s10 =	sadd.s32 @!p0 $0x0, s6;
	s12 =	simm.s32 @!p0 $0x80;
	[sflag:s14] =	ssyncadd.s32 @!p0 $0xFFFFFF80  }
0x13: {  	[tilespmem:s12], [sflag:$0x4] =	stream.linear.gather @!p0 [hbm4b:s10+s11], $0x80, $0x38;
	[tilespmem:$0x4100] =	vst v63  }
0x14: {  	_ =	swait.ge @!p0 [sflag:s14], $0x80  }
0x15: {  	[sflag:s14] =	ssyncset.done @!p0 $0x0  }
0x16: {  	s10 =	simm.s32 @!p0 $0x100;
	[sflag:s14] =	ssyncadd.s32 @!p0 $0xFFFFFF80  }
0x17: {  	[tilespmem:s10], [sflag:$0x1] =	stream.indirect.gather @!p0 [hbm4b:s1+s12], $0x40, s11, s12, $0xb8;
	[tilespmem:$0x4100] =	vst v63  }
0x18: {  	s15 =	simm.s32 @!p0 $0x2100;
	s13 =	simm.s32 @!p0 $0x1  }
0x19: {  	[tilespmem:s15], [sflag:$0x2] =	stream.indirect.gather @!p0 [hbm4b:s1+s12], $0x40, s12, s12, $0xb8;
	[tilespmem:$0x4100] =	vst v63  }
0x1a: {  	_ =	swait.ge @!p0 [sflag:s13], $0x2000  }
0x1b: {  	[sflag:s13] =	ssyncset.done @!p0 $0x0  }
0x1c: {  	s12 =	simm.s32 @!p0 $0x2;
	[sflag:s13] =	ssyncadd.s32 @!p0 $0xFFFFE000  }
0x1d: {  	_ =	swait.ge @!p0 [sflag:s12], $0x2000  }
0x1e: {  	[sflag:s12] =	ssyncset.done @!p0 $0x0  }
0x1f: {  	[sflag:s12] =	ssyncadd.s32 @!p0 $0xFFFFE000  }
0x20: {  	[hbm4b:s9+s11] =	stream.linear.scatter @!p0 [tilespmem:s10], [sflag:$0x4], $0x2000, $0x38;
	[tilespmem:$0x4100] =	vst v63  }
0x21: {  	_ =	swait.ge @!p0 [sflag:s14], $0x2000  }
0x22: {  	[sflag:s14] =	ssyncset.done @!p0 $0x0  }
0x23: {  	s13 =	simm.s32 $0x400;
	s12 =	simm.s32 $0x200;
	[sflag:s14] =	ssyncadd.s32 @!p0 $0xFFFFE000  }
0x24: {  	[hbm4b:s8+s11] =	stream.linear.scatter @!p0 [tilespmem:s15], [sflag:$0x3], $0x2000, $0x38;
	[tilespmem:$0x4100] =	vst v63  }
0x25: {  	s10 =	sadd.s32 $0x8000, s9;
	s14 =	sadd.s32 $0x20, s4;
	s15 =	simm.s32 @!p0 $0x3  }
0x26: {  	p2 =	sgt.u32 s14, $0x1869;
	s11 =	sadd.s32 $0x8000, s8;
	_ =	swait.ge @!p0 [sflag:s15], $0x2000  }
.LBB2_2:
0x27: {  	s16 =	sadd.s32 @!p2 s12, s7  }
0x28: {  	s17 =	simm.s32 @!p2 $0x0;
	[sflag:s15] =	ssyncset.done @!p0 $0x0;
	s18 =	smov.u32 s13  }
0x29: {  	s13 =	sadd.s32 $0x200, s13;
	s19 =	simm.s32 @!p2 $0x4;
	[sflag:s15] =	ssyncadd.s32 @!p0 $0xFFFFE000  }
0x2a: {  	[tilespmem:s17], [sflag:$0x4] =	stream.linear.gather @!p2 [hbm4b:s16+s17], $0x80, $0x38;
	[tilespmem:$0x4100] =	vst v63  }
0x2b: {  	p1 =	sne.s32 s13, $0x18800;
	p0 =	por p2, p2;
	_ =	swait.ge @!p2 [sflag:s19], $0x80  }
0x2c: {  	[sflag:s19] =	ssyncset.done @!p0 $0x0  }
0x2d: {  	s12 =	sadd.s32 @!p0 s12, s6;
	s15 =	simm.s32 @!p0 $0x80;
	[sflag:s19] =	ssyncadd.s32 @!p0 $0xFFFFFF80  }
0x2e: {  	[tilespmem:s15], [sflag:$0x4] =	stream.linear.gather @!p0 [hbm4b:s12+s17], $0x80, $0x38;
	[tilespmem:$0x4100] =	vst v63  }
0x2f: {  	s12 =	smov.u32 s18;
	_ =	swait.ge @!p0 [sflag:s19], $0x80  }
0x30: {  	[sflag:s19] =	ssyncset.done @!p0 $0x0  }
0x31: {  	s16 =	simm.s32 @!p0 $0x100;
	[sflag:s19] =	ssyncadd.s32 @!p0 $0xFFFFFF80  }
0x32: {  	[tilespmem:s16], [sflag:$0x1] =	stream.indirect.gather @!p0 [hbm4b:s1+s15], $0x40, s17, s15, $0xb8;
	[tilespmem:$0x4100] =	vst v63  }
0x33: {  	s20 =	simm.s32 @!p0 $0x1;
	s18 =	simm.s32 @!p0 $0x2100  }
0x34: {  	[tilespmem:s18], [sflag:$0x2] =	stream.indirect.gather @!p0 [hbm4b:s1+s15], $0x40, s15, s15, $0xb8;
	[tilespmem:$0x4100] =	vst v63  }
0x35: {  	_ =	swait.ge @!p0 [sflag:s20], $0x2000  }
0x36: {  	[sflag:s20] =	ssyncset.done @!p0 $0x0  }
0x37: {  	s15 =	simm.s32 @!p0 $0x2;
	[sflag:s20] =	ssyncadd.s32 @!p0 $0xFFFFE000  }
0x38: {  	_ =	swait.ge @!p0 [sflag:s15], $0x2000  }
0x39: {  	[sflag:s15] =	ssyncset.done @!p0 $0x0  }
0x3a: {  	[sflag:s15] =	ssyncadd.s32 @!p0 $0xFFFFE000  }
0x3b: {  	[hbm4b:s10+s17] =	stream.linear.scatter @!p0 [tilespmem:s16], [sflag:$0x4], $0x2000, $0x38;
	[tilespmem:$0x4100] =	vst v63  }
.Ltmp0:
0x3c: {  	_ =	swait.ge @!p0 [sflag:s19], $0x2000;
	(pc) =	sbr.rel @p1 .LBB2_2-.Ltmp0, $4  }
0x3d: {  	s10 =	sadd.s32 $0x8000, s10;
	[sflag:s19] =	ssyncset.done @!p0 $0x0  }
0x3e: {  	s14 =	sadd.s32 $0x20, s14;
	s15 =	simm.s32 @!p0 $0x3;
	[sflag:s19] =	ssyncadd.s32 @!p0 $0xFFFFE000  }
0x3f: {  	[hbm4b:s11+s17] =	stream.linear.scatter @!p0 [tilespmem:s18], [sflag:$0x3], $0x2000, $0x38;
	[tilespmem:$0x4100] =	vst v63  }
0x40: {  	p2 =	sgt.u32 s14, $0x1869;
	s11 =	sadd.s32 $0x8000, s11;
	_ =	swait.ge @!p0 [sflag:s15], $0x2000  }
0x41: {  	s13 =	sadd.s32 @!p2 s12, s7;
	[sflag:s15] =	ssyncset.done @!p0 $0x0  }
0x42: {  	s14 =	simm.s32 @!p2 $0x0;
	s16 =	simm.s32 @!p2 $0x4;
	[sflag:s15] =	ssyncadd.s32 @!p0 $0xFFFFE000  }
0x43: {  	[tilespmem:s14], [sflag:$0x4] =	stream.linear.gather @!p2 [hbm4b:s13+s14], $0x80, $0x38;
	[tilespmem:$0x4100] =	vst v63  }
0x44: {  	p0 =	por p2, p2;
	_ =	swait.ge @!p2 [sflag:s16], $0x80  }
0x45: {  	[sflag:s16] =	ssyncset.done @!p0 $0x0  }
0x46: {  	s12 =	sadd.s32 @!p0 s12, s6;
	s13 =	simm.s32 @!p0 $0x80;
	[sflag:s16] =	ssyncadd.s32 @!p0 $0xFFFFFF80  }
0x47: {  	[tilespmem:s13], [sflag:$0x4] =	stream.linear.gather @!p0 [hbm4b:s12+s14], $0x80, $0x38;
	[tilespmem:$0x4100] =	vst v63  }
0x48: {  	_ =	swait.ge @!p0 [sflag:s16], $0x80  }
0x49: {  	[sflag:s16] =	ssyncset.done @!p0 $0x0  }
0x4a: {  	s12 =	simm.s32 @!p0 $0x100;
	[sflag:s16] =	ssyncadd.s32 @!p0 $0xFFFFFF80  }
0x4b: {  	[tilespmem:s12], [sflag:$0x1] =	stream.indirect.gather @!p0 [hbm4b:s1+s13], $0x40, s14, s13, $0xb8;
	[tilespmem:$0x4100] =	vst v63  }
0x4c: {  	s15 =	simm.s32 @!p0 $0x2100;
	s17 =	simm.s32 @!p0 $0x1  }
0x4d: {  	[tilespmem:s15], [sflag:$0x2] =	stream.indirect.gather @!p0 [hbm4b:s1+s13], $0x40, s13, s13, $0xb8;
	[tilespmem:$0x4100] =	vst v63  }
0x4e: {  	_ =	swait.ge @!p0 [sflag:s17], $0x2000  }
0x4f: {  	[sflag:s17] =	ssyncset.done @!p0 $0x0  }
0x50: {  	s13 =	simm.s32 @!p0 $0x2;
	[sflag:s17] =	ssyncadd.s32 @!p0 $0xFFFFE000  }
0x51: {  	_ =	swait.ge @!p0 [sflag:s13], $0x2000  }
0x52: {  	[sflag:s13] =	ssyncset.done @!p0 $0x0  }
0x53: {  	[sflag:s13] =	ssyncadd.s32 @!p0 $0xFFFFE000  }
0x54: {  	[hbm4b:s10+s14] =	stream.linear.scatter @!p0 [tilespmem:s12], [sflag:$0x4], $0x2000, $0x38;
	[tilespmem:$0x4100] =	vst v63  }
0x55: {  	s3 =	sadd.s32 $0x1, s3;
	_ =	swait.ge @!p0 [sflag:s16], $0x2000  }
0x56: {  	p1 =	sne.s32 s3, s5;
	[sflag:s16] =	ssyncset.done @!p0 $0x0  }
.Ltmp1:
0x57: {  	s10 =	simm.s32 @!p0 $0x3;
	[sflag:s16] =	ssyncadd.s32 @!p0 $0xFFFFE000;
	(pc) =	sbr.rel @p1 .LBB2_1-.Ltmp1, $4  }
0x58: {  	[hbm4b:s11+s14] =	stream.linear.scatter @!p0 [tilespmem:s15], [sflag:$0x3], $0x2000, $0x38;
	[tilespmem:$0x4100] =	vst v63  }
0x59: {  	_ =	swait.ge @!p0 [sflag:s10], $0x2000  }
0x5a: {  	[sflag:s10] =	ssyncset.done @!p0 $0x0  }
0x5b: {  	[sflag:s10] =	ssyncadd.s32 @!p0 $0xFFFFE000  }
0x5c: {  	_ =	sfence.sel $0x180000  }
0x5d: {  	[bflag:$0x0] =	sbarrier.arrive $0xFFFF  }
0x5e: {  	p0 =	sne.s32 s2, $0x0;
	_ =	strace $0x90000047  }
0x5f: {  	s0 =	sadd.s32 @!p0 $0x100000, s0;
	[bflag:$0x2] =	sbarrier.arrive $0xFFFF  }
0x60: {  	[sflag:s0] =	ssyncadd.tile.s32 @!p0 $0x1;
	_ =	shalt  }
.Lfunc_end2:
_tile_overlayer_lowered:
.L_overlay_start_2:
0x61: {  	(tag) =	ssettag $0x2  }
0x62: {  	s0 =	rddreg [dreg:$0x0];
	s2 =	stileid.u32  }
0x63: {  	s1 =	rddreg [dreg:$0x1];
	p0 =	sne.s32 s2, $0x0  }
0x64: {  	s3 =	rddreg [dreg:$0x2];
	[bflag:$0x3] =	sbarrier.arrive $0xFFFF;
	s2 =	simm.s32 @!p0 $0x1C03  }
0x65: {  	[timem:s3], [sflag:s2] =	dma.local @!p0 [hbm:s0], s1  }
0x66: {  	s0 =	simm.s32 @!p0 $0x3  }
0x67: {  	_ =	swait.ge @!p0 [sflag:s0], s1  }
0x68: {  	s1 =	ssub.s32 @!p0 $0x0, s1;
	[sflag:s0] =	ssyncset.done @!p0 $0x0  }
0x69: {  	[sflag:s0] =	ssyncadd.s32 @!p0 s1  }
0x6a: {  	[bflag:$0x3] =	sbarrier.arrive $0xFFFF  }
0x6b: {  	_ =	shalt  }

// kernel: sparse-core-data-format-call.cloned.1.call-start
scs
called_computation_lowered:
.L_overlay_start_0:
0x0: {  	s2 =	sld [smem:$0x3FD9]  }
0x1: {  	s3 =	sld [smem:$0x3FFE];
	_ =	sdelay $0x1  }
0x2: {  	s1 =	srdreg.scid  }
0x3: {  	s0 =	sand.u32 $0x1, s1  }
0x4: {  	s16 =	sshll.u32 s0, $0xA;
	s2 =	sadd.s32 s3, s2  }
0x5: {  	s2 =	sadd.s32 s2, s16  }
0x6: {  	[smem:$0x3FC4] =	sst s2  }
0x7: {  	_ = 	snop  }
0x8: {  	s2 =	sld [smem:$0x3FD0];
	_ =	sdelay $0x2  }
0x9: {  	s17 =	simm.s32 $0xB;
	s4 =	simm.s32 $0x10  }
0xa: {  	[smem:s4], [sflag:s17] =	dma.local [hbm:s2], $0x1  }
0xb: {  	_ =	swait.eq [sflag:s17], $0x1  }
0xc: {  	[sflag:s17] =	ssyncset.done $0x0  }
0xd: {  	[sflag:s17] =	ssyncadd.s32 $0xFFFFFFFF  }
0xe: {  	s18 =	sld [smem:$0x11];
	(tm) =	ssettm $0x1  }
0xf: {  	s19 =	sld [smem:$0x3FFB];
	_ =	sdelay $0x3  }
0x10: {  	_ =	strace s19  }
0x11: {  	s2 =	sld [smem:$0x3FFC];
	_ =	sdelay $0x3  }
0x12: {  	_ =	strace s2  }
0x13: {  	s2 =	sld [smem:$0x3FFD];
	_ =	sdelay $0x3  }
0x14: {  	_ =	strace s2  }
0x15: {  	_ =	strace $0x8FFFFFFF  }
0x16: {  	s20 =	sld [smem:$0x3FDB];
	_ =	sdelay $0x1  }
0x17: {  	s21 =	simm.s32 $_scs_section_size  }
0x18: {  	s5 =	simm.s32 $_size__tile_overlayer_lowered;
	s6 =	simm.s32 $_tile_overlayer_lowered  }
0x19: {  	s7 =	simm.s32 $0x1BFF;
	s22 =	sshll.u32 s6, $0x1;
	s4 =	sadd.s32 s21, s20  }
0x1a: {  	s23 =	simm.s32 $0x0;
	s5 =	sshll.u32 s5, $0x1;
	s6 =	sadd.s32 s22, s4  }
0x1b: {  	[timem:s23], [sflag:s7] =	dma.local [hbm:s6], s5  }
0x1c: {  	_ =	swait.ge [sflag:s7], s5  }
0x1d: {  	s5 =	ssub.s32 $0x0, s5;
	[sflag:s7] =	ssyncset.done $0x0  }
0x1e: {  	[sflag:s7] =	ssyncadd.s32 s5;
	_ =	sdelay $0x1  }
0x1f: {  	s24 =	simm.s32 $0x1B8B  }
0x20: {  	_ =	swait.ge [sflag:s24], $0x1  }
0x21: {  	[sflag:s24] =	ssyncset.done $0x0  }
0x22: {  	[sflag:s24] =	ssyncadd.s32 $0xFFFFFFFF  }
0x23: {  	s5 =	sld [smem:$0x0]  }
0x24: {  	s6 =	sand.u32 $0xFFFFFFFE, s1  }
0x25: {  	p0 =	sne.s32 s1, s6  }
0x26: {  	s6 =	sshll.u32 @p0 s6, $0xE  }
0x27: {  	s6 =	sadd.s32 @p0 $0x11B8D, s6;
	s7 =	sshll.u32 @p0 s5, $0x11  }
0x28: {  	s6 =	sor.u32 @p0 s7, s6  }
0x29: {  	[sflag:s6] =	ssyncadd.remote.s32 @p0 $0x1;
	_ =	sdelay $0x1  }
0x2a: {  	s6 =	simm.s32 @p0 $0x1B8D  }
0x2b: {  	_ =	swait.eq @p0 [sflag:s6], $0x1  }
0x2c: {  	[sflag:s6] =	ssyncadd.s32 @p0 $0xFFFFFFFF  }
0x2d: {  	s7 =	sshll.u32 @!p0 s1, $0xE  }
0x2e: {  	s7 =	sor.u32 @!p0 $0x4000, s7;
	s6 =	simm.s32 @!p0 $0x1B8D  }
0x2f: {  	s5 =	sshll.u32 @!p0 s5, $0x11;
	s7 =	sadd.s32 @!p0 $0x11B8D, s7;
	_ =	swait.eq @!p0 [sflag:s6], $0x1  }
0x30: {  	s5 =	sor.u32 @!p0 s5, s7;
	[sflag:s6] =	ssyncadd.s32 @!p0 $0xFFFFFFFF  }
0x31: {  	s26 =	simm.s32 $0x1B8E;
	s25 =	sld [smem:$0x3FFE];
	[sflag:s5] =	ssyncadd.remote.s32 @!p0 $0x1  }
0x32: {  	s27 =	simm.s32 $execute0_lowered;
	[smem:$0x3FD2] =	sst s26  }
0x33: {  	s6 =	sshll.u32 s27, $0x1;
	_ =	strace $0x8000004F;
	[dreg:$0x1] =	wrdreg $0xFFFFFFFF  }
0x34: {  	s28 =	simm.s32 $_size_execute0_lowered;
	s4 =	sadd.s32 s4, s6;
	[dreg:$0x0] =	wrdreg $0x0  }
0x35: {  	s6 =	sshll.u32 s28, $0x1;
	[dreg:$0x2] =	wrdreg s4  }
0x36: {  	[dreg:$0x3] =	wrdreg s6  }
0x37: {  	[dreg:$0x4] =	wrdreg $0xC0  }
0x38: {  	_ =	task [dreg:s23], $0x5FFFF  }
0x39: {  	[dreg:$0x1] =	wrdreg $0xFFFFFFFF  }
0x3a: {  	[dreg:$0x0] =	wrdreg $0x60  }
0x3b: {  	[dreg:$0x2] =	wrdreg s25  }
0x3c: {  	[dreg:$0x3] =	wrdreg s18  }
0x3d: {  	[dreg:$0x4] =	wrdreg $0x9  }
0x3e: {  	_ =	task.clear_ibuf [dreg:s23], $0x5FFFF;
	_ =	strace $0x9000004F  }
0x3f: {  	s29 =	simm.s32 $0x9;
	_ =	strace $0x80000051  }
0x40: {  	_ =	swait.ge [sflag:s29], $0x1  }
0x41: {  	[sflag:s29] =	ssyncadd.s32 $0xFFFFFFFF  }
0x42: {  	_ =	strace $0x90000051  }
0x43: {  	_ =	sfence  }
0x44: {  	s30 =	sld [smem:$0x0];
	_ =	sdelay $0x2  }
0x45: {  	s31 =	sshll.u32 s1, $0xD;
	s1 =	sshrl.u32 s1, $0x2  }
0x46: {  	s4 =	sand.u32 $0x4000, s31;
	s1 =	sadd.s32 s1, s30  }
0x47: {  	s0 =	sor.u32 s4, s0;
	s1 =	sshll.u32 s1, $0x11  }
0x48: {  	s0 =	sor.u32 s1, s0  }
0x49: {  	s0 =	sadd.s32 $0x8F2B, s0  }
0x4a: {  	[sflag:s0] =	ssyncadd.remote.s32 $0x1  }
0x4b: {  	_ =	sfence.sel $0xFFFF  }
0x4c: {  	[dreg:$0x0] =	wrdreg $0xFFFFFFFF;
	(pc) =	sbr.abs _section_cstart, $3  }
0x4d: {  	[dreg:$0x1] =	wrdreg $0xFFFFFFFF  }
0x4e: {  	_ =	task.clear_ibuf [dreg:s23], $0x2FFFF;
	_ =	strace $0x9FFFFFFF  }
0x4f: {  	(tm) =	ssettm $0x7FFFFFFF  }
tec
execute0_lowered:
.L_overlay_start_1:
0x0: {  	(tag) =	ssettag $0x1  }
0x1: {  	s0 =	srdreg.scid  }
0x2: {  	s1 =	sshll.u32 s0, $0x4  }
0x3: {  	s4 =	rddreg [dreg:$0x0];
	s0 =	stileid.u32;
	s1 =	sand.u32 $0x10, s1  }
0x4: {  	s2 =	rddreg [dreg:$0x1];
	s7 =	simm.s32 $0x1;
	s1 =	sor.u32 s0, s1  }
0x5: {  	s8 =	simm.s32 $0x2;
	s11 =	simm.s32 $0x0;
	s3 =	sshll.u32 s1, $0x7  }
0x6: {  	s10 =	simm.s32 $0x0;
	s4 =	sadd.s32 $0xC4EC00, s4;
	s6 =	ssub.s32 $0xC3500, s3  }
.Ltmp0:
0x7: {  	s1 =	rddreg [dreg:$0x2];
	s5 =	sand.u32 $0xF80, s6;
	(pc) =	sbr.rel .LBB1_1-.Ltmp0, $4  }
0x8: {  	_ =	strace $0x80000050;
	s9 =	smov.u32 s3;
	p0 =	sne.s32 s5, $0x0  }
0x9: {  	s6 =	sshrl.u32 s6, $0xC;
	s5 =	simm.s32 $0x1;
	s7 =	simm.s32 @!p0 $0x0  }
0xa: {  	[sflag:s5] =	ssyncpa.u1 $0x0;
	p0 =	por $0x0, $0x0;
	s6 =	sadd.s32 s7, s6  }
0xb: {  	[sflag:s8] =	ssyncpa.u1 $0x0;
	s8 =	simm.s32 $0x61A800;
	s7 =	sadd.s32 $0x1, s6  }
.LBB1_4:
0xc: {  	s14 =	sshll.u32 s11, $0x3  }
0xd: {  	s14 =	sand.u32 $0xFFFFFC00, s14  }
0xe: {  	s15 =	sshrl.u32 s14, $0x8  }
0xf: {  	s15 =	smulhi.u32 $0x14F8B59, s15;
	_ =	sdelay $0x1  }
0x10: {  	s15 =	sshrl.u32 s15, $0x4  }
0x11: {  	s28 =	sand.u32 $0x7F, s11;
	s16 =	smul.u32 $0xC3500, s15  }
0x12: {  	s11 =	sor.u32 s28, s14  }
0x13: {  	s29 =	sand.u32 $0x3F, s15;
	s11 =	ssub.s32 s11, s16  }
0x14: {  	[tilespmem:s13+$0x810 ss:$0x81] =	vst.msk $0xffff, v2;
	s14 =	smul.u32 $0x186A0, s29;
	s30 =	sshrl.u32 s11, $0x3;
	s11 =	sand.u32 $0x7, s11  }
0x15: {  	[tilespmem:s13+$0x1020 ss:$0x81] =	vst.msk $0xffff, v0;
	s15 =	sadd.s32 s2, s30;
	s11 =	sshll.u32 s11, $0x12  }
0x16: {  	[tilespmem:s13+$0x0 ss:$0x81] =	vst.msk $0xffff, v1;
	s31 =	sadd.s32 s14, s15;
	s11 =	sor.u32 $0x400, s11  }
0x17: {  	[hbm4b:s31+s11] =	stream.strided.scatter [tilespmem:s12], [sflag:$0x2], $0x2000, s8, s11, $0x20;
	[tilespmem:$0x8080] =	vst v63  }
.LBB1_5:
0x18: {  	s13 =	sadd.s32 $0x1000, s9  }
0x19: {  	p2 =	sgt.s32 s13, $0xC34FF  }
0x1a: {  	s13 =	smov.u32 @p2 s3;
	p2 =	sne.s32 s10, s7  }
.Ltmp1:
0x1b: {  	p1 =	slt.u32 s10, $0x2;
	(pc) =	sbr.rel @!p2 .LBB1_6-.Ltmp1, $4  }
0x1c: {  	s12 =	simm.s32 @!p1 $0x2  }
0x1d: {  	s14 =	sadd.s32 $0x1, s10;
	_ =	swait.ge @!p1 [sflag:s12], $0x2000  }
0x1e: {  	s11 =	smov.u32 s9;
	p0 =	por !p0, !p0;
	[sflag:s12] =	ssyncset.done @!p1 $0x0  }
0x1f: {  	s10 =	smov.u32 s14;
	s9 =	smov.u32 s13;
	[sflag:s12] =	ssyncadd.s32 @!p1 $0xFFFFE000  }
.LBB1_1:
0x20: {  	p1 =	sge.u32 s10, s6  }
0x21: {  	s12 =	sand.u32 @!p1 $0x1FFFFFF, s9  }
0x22: {  	s13 =	smulhi.u32 @!p1 $0x14F8B59, s12;
	_ =	sdelay $0x1  }
0x23: {  	s13 =	sshrl.u32 @!p1 s13, $0xC  }
0x24: {  	s13 =	smul.u32 @!p1 $0xC3500, s13;
	_ =	sdelay $0x1  }
0x25: {  	s31 =	sadd.s32 $0xFFFFFFFF, s10;
	s14 =	sxor.u32 @!p1 $0xFFFFFFFF, s10;
	s12 =	ssub.s32 @!p1 s12, s13  }
0x26: {  	s15 =	simm.s32 @!p1 $0x80;
	s14 =	sshll.u32 @!p1 s14, $0xD;
	s12 =	sshll.u32 @!p1 s12, $0x4  }
0x27: {  	s13 =	sand.u32 @!p1 $0x2000, s14;
	s14 =	simm.s32 @!p1 $0x40;
	s12 =	sadd.s32 @!p1 s4, s12  }
0x28: {  	[tilespmem:s13], [sflag:$0x1] =	stream.strided.gather @!p1 [hbm4b:s12+s14], $0x2000, s15, s14, $0x38;
	[tilespmem:$0x8080] =	vst v63  }
0x29: {  	p1 =	sge.u32 s31, s6  }
.Ltmp2:
0x2a: {  	_ = 	snop;
	(pc) =	sbr.rel @p1 .LBB1_5-.Ltmp2, $1  }
0x2b: {  	_ =	sdelay $0x3  }
0x2c: {  	s12 =	simm.s32 $0x1  }
0x2d: {  	_ =	swait.ge [sflag:s5], $0x2000;
	s12 =	simm.s32 @!p0 $0x0  }
0x2e: {  	[sflag:s5] =	ssyncset.done $0x0;
	s13 =	sshll.u32 s12, $0xD  }
0x2f: {  	[sflag:s5] =	ssyncadd.s32 $0xFFFFE000;
	s16 =	sor.u32 $0x20, s13  }
0x30: {  	s12 =	smul.u32 $0x8100, s12;
	v3 =	vld [tilespmem:s16+$0x10]  }
0x31: {  	s30 =	sand.u32 $0x1, s10;
	v2 =	vld [tilespmem:s16+$0xFFFFFFF0]  }
0x32: {  	s13 =	smul.u32 $0x8100, s30;
	s12 =	sshrl.u32 s12, $0x2;
	v0 =	vld [tilespmem:s16+$0x0]  }
0x33: {  	v1 =	vld [tilespmem:s16+$0xFFFFFFE0];
	s14 =	sor.u32 $0x4000, s12  }
0x34: {  	s31 =	sshrl.u32 s13, $0x2;
	s13 =	sadd.s32 $0x0, s14  }
0x35: {  	s15 =	simm.s32 $0x4;
	s16 =	sadd.s32 $0x40, s16;
	s12 =	sor.u32 $0x4000, s31;
	[tilespmem:s13+$0x1830 ss:$0x81] =	vst.msk $0xffff, v3  }
.LBB1_3:
0x36: {  	v3 =	vld [tilespmem:s16+$0x10];
	p1 =	sne.s32 s15, $0x1FC;
	[tilespmem:s13+$0x810 ss:$0x81] =	vst.msk $0xffff, v2;
	s17 =	smov.u32 s15;
	s15 =	sadd.s32 $0x4, s15  }
.Ltmp3:
0x37: {  	v2 =	vld [tilespmem:s16+$0xFFFFFFF0];
	[tilespmem:s13+$0x1020 ss:$0x81] =	vst.msk $0xffff, v0;
	(pc) =	sbr.rel @p1 .LBB1_3-.Ltmp3, $4  }
0x38: {  	v0 =	vld [tilespmem:s16+$0x0];
	[tilespmem:s13+$0x0 ss:$0x81] =	vst.msk $0xffff, v1  }
0x39: {  	s13 =	sshra.s32 s17, $0x2;
	v1 =	vld [tilespmem:s16+$0xFFFFFFE0]  }
0x3a: {  	s13 =	sadd.s32 s13, s14  }
0x3b: {  	s16 =	sadd.s32 $0x40, s16;
	[tilespmem:s13+$0x1830 ss:$0x81] =	vst.msk $0xffff, v3  }
.Ltmp4:
0x3c: {  	_ = 	snop;
	(pc) =	sbr.rel .LBB1_4-.Ltmp4, $1  }
0x3d: {  	_ =	sdelay $0x3  }
.LBB1_6:
0x3e: {  	_ =	sfence.sel $0x180000  }
0x3f: {  	s2 =	simm.s32 $0x1;
	[bflag:$0x0] =	sbarrier.arrive $0xFFFF  }
0x40: {  	s31 =	simm.s32 $0x2;
	[sflag:s2] =	ssyncpa.u1 $0x1  }
0x41: {  	[sflag:s31] =	ssyncpa.u1 $0x1  }
0x42: {  	p0 =	sne.s32 s0, $0x0;
	_ =	strace $0x90000050  }
0x43: {  	s0 =	sadd.s32 @!p0 $0x100000, s1;
	[bflag:$0x2] =	sbarrier.arrive $0xFFFF  }
0x44: {  	[sflag:s0] =	ssyncadd.tile.s32 @!p0 $0x1;
	_ =	shalt  }
.Lfunc_end1:
_tile_overlayer_lowered:
.L_overlay_start_2:
0x45: {  	(tag) =	ssettag $0x2  }
0x46: {  	s0 =	rddreg [dreg:$0x0];
	s2 =	stileid.u32  }
0x47: {  	s1 =	rddreg [dreg:$0x1];
	p0 =	sne.s32 s2, $0x0  }
0x48: {  	s3 =	rddreg [dreg:$0x2];
	[bflag:$0x3] =	sbarrier.arrive $0xFFFF;
	s2 =	simm.s32 @!p0 $0x1C01  }
0x49: {  	[timem:s3], [sflag:s2] =	dma.local @!p0 [hbm:s0], s1  }
0x4a: {  	s0 =	simm.s32 @!p0 $0x1  }
0x4b: {  	_ =	swait.ge @!p0 [sflag:s0], s1  }
0x4c: {  	s1 =	ssub.s32 @!p0 $0x0, s1;
	[sflag:s0] =	ssyncset.done @!p0 $0x0  }
0x4d: {  	[sflag:s0] =	ssyncadd.s32 @!p0 s1  }
0x4e: {  	[bflag:$0x3] =	sbarrier.arrive $0xFFFF  }
0x4f: {  	_ =	shalt  }

</sc_bundles>
